<compile_context>
chip_gen: v7x
topology: tpu7x:2x2x1
jax: 0.10.2.dev20260603
libtpu: 0.0.44.dev20260713+nightly
codegen_flags: <defaults>
</compile_context>

<pallas_src>
import functools

import jax
import jax.numpy as jnp
from jax import lax
from jax.experimental import pallas as pl
from jax.experimental.pallas import tpu as pltpu
from jax.experimental.pallas import tpu_sc as plsc

_L = 16
_U = 25
_BLANK = 0
_EOS = 1
_W = 8


def _tree(items, merge):
    while len(items) > 1:
        nxt = [merge(items[k], items[k + 1]) for k in range(0, len(items) - 1, 2)]
        if len(items) % 2:
            nxt.append(items[-1])
        items = nxt
    return items[0]


def _make_rowstats(batch, vocab):
    blk = _L * _U
    assert vocab % blk == 0
    nblocks = vocab // blk
    mesh = plsc.VectorSubcoreMesh(core_axis_name="c", subcore_axis_name="s")

    @functools.partial(
        pl.kernel,
        mesh=mesh,
        out_type=[
            jax.ShapeDtypeStruct((batch, _L), jnp.float32),
            jax.ShapeDtypeStruct((batch, _L), jnp.int32),
        ],
        scratch_types=[
            pltpu.VMEM((vocab,), jnp.float32),
            pltpu.VMEM((_L,), jnp.float32),
            pltpu.VMEM((_L,), jnp.int32),
            pltpu.SemaphoreType.DMA,
            pltpu.SemaphoreType.DMA,
        ],
    )
    def rowstats(logits_hbm, p_hbm, c_hbm, row_v, pvec_v, cvec_v, osem0, osem1):
        wid = lax.axis_index("s") * 2 + lax.axis_index("c")
        pltpu.sync_copy(logits_hbm.at[wid], row_v)

        lane = lax.iota(jnp.int32, _L)

        def fused_block(i, carry):
            m, bidx, s = carry
            base = i * blk
            xs = [row_v[pl.ds(base + j * _L, _L)] for j in range(_U)]
            bm = _tree(xs, jnp.maximum)
            gt = bm > m
            bidx = jnp.where(gt, jnp.full((_L,), i, jnp.int32), bidx)
            m = jnp.maximum(m, bm)
            s = s + _tree([jnp.exp(x) for x in xs], jnp.add)
            return m, bidx, s

        def shuffle_xor(v, k):
            return v.at[lane ^ k].get(mode="promise_in_bounds")

        def bcast_reduce(v, op):
            for k in (1, 2, 4, 8):
                v = op(v, shuffle_xor(v, k))
            return v

        carry0 = (jnp.full((_L,), -jnp.inf, jnp.float32),
                  jnp.zeros((_L,), jnp.int32),
                  jnp.zeros((_L,), jnp.float32))
        m, bidx, s = lax.fori_loop(0, nblocks, fused_block, carry0)

        row_max = bcast_reduce(m, jnp.maximum)
        bstar_v = bcast_reduce(
            jnp.where(m == row_max, bidx, jnp.int32(nblocks)), jnp.minimum
        )
        bstar = bstar_v[0] * blk
        cols = [
            jnp.where(row_v[pl.ds(bstar + j * _L, _L)] == row_max,
                      bstar + j * _L + lane, jnp.int32(vocab))
            for j in range(_U)
        ]
        c_r = bcast_reduce(_tree(cols, jnp.minimum), jnp.minimum)
        p_r = jnp.exp(row_max) / bcast_reduce(s, jnp.add)

        pvec_v[...] = p_r
        cvec_v[...] = c_r
        out1 = pltpu.async_copy(pvec_v, p_hbm.at[wid], osem0)
        out2 = pltpu.async_copy(cvec_v, c_hbm.at[wid], osem1)
        out1.wait()
        out2.wait()

    return rowstats


def _make_epilogue(batch):
    def body(p_ref, c_ref, ts_ref, ls_ref, seq_ref, ni_ref):
        p = p_ref[...]
        c = c_ref[...]
        p_star = jnp.max(p)
        rows = lax.broadcasted_iota(jnp.int32, (batch, _L), 0)
        r = jnp.min(jnp.where(p == p_star, rows, batch))
        c_star = jnp.min(jnp.where(rows == r, c, jnp.int32(2**31 - 1)))
        tail = jnp.where(c_star == _EOS, jnp.int32(-1), c_star)
        ts_ref[...] = jnp.full((_W,), p_star, jnp.float32)
        ls_ref[...] = jnp.full((_W,), jnp.log(p_star), jnp.float32)
        ni_ref[...] = _W * r + lax.broadcasted_iota(jnp.int32, (_W,), 0)
        seq_ref[...] = jnp.where(
            lax.broadcasted_iota(jnp.int32, (_W, 2), 1) == 0,
            jnp.int32(_BLANK), tail)

    return pl.pallas_call(
        body,
        out_shape=[
            jax.ShapeDtypeStruct((_W,), jnp.float32),
            jax.ShapeDtypeStruct((_W,), jnp.float32),
            jax.ShapeDtypeStruct((_W, 2), jnp.int32),
            jax.ShapeDtypeStruct((_W,), jnp.int32),
        ],
    )


def kernel(logits, seq_len):
    del seq_len
    batch, vocab = logits.shape
    p_rows, c_rows = _make_rowstats(batch, vocab)(logits)
    top_scores, log_scores, seqs, next_indices = _make_epilogue(batch)(
        p_rows, c_rows)
    batch_seqs = jnp.broadcast_to(seqs[None], (batch, _W, 2))
    return top_scores, log_scores, batch_seqs, next_indices

# --- scband reference (transcript-rebuilt; emitter-appended) ---
"""Pipeline reference for scband-beam-character-decoder-35880156790962 (READ-ONLY COPY).

The authoritative reference and input builder live on the scoring server;
editing this copy changes nothing except your own understanding.
"""

import jax, jax.numpy as jnp
import numpy as np

BLANK_INDEX = 0
EOS_INDEX = 1
BEAM_WIDTH = 8

def setup_inputs(seed: int = 0) -> dict:
    key = jax.random.key(seed)
    logits = jax.random.normal(key, (32, 100000), dtype=jnp.float32)
    return {"logits": logits, "seq_len": 128}

def reference(logits, seq_len):
    # Faithful translation of the (single-step, since num_steps = N//N = 1)
    # beam search body. Inside the per-batch loop the original computes the
    # identical quantity for every b (it never indexes logits_step by b),
    # so we compute it once and broadcast to the batch.
    batch_size, num_classes = logits.shape
    # np.repeat(logits_step, beam_width, axis=0) + zero beam scores
    expanded = jnp.repeat(logits, BEAM_WIDTH, axis=0)  # [B*W, V]
    # row-wise softmax: exp(x - max) / sum
    shifted = expanded - jnp.max(expanded, axis=1, keepdims=True)
    probs = jnp.exp(shifted)
    probs = probs / jnp.sum(probs, axis=1, keepdims=True)
    flat = probs.reshape(-1)
    # argsort descending, take top beam_width -> global top-k over flattened scores
    top_scores, top_idx = jax.lax.top_k(flat, BEAM_WIDTH)
    next_indices = top_idx // num_classes  # beam backpointers
    char_indices = top_idx % num_classes
    log_scores = jnp.log(top_scores)
    # sequences: [blank]*num_steps (=1) + appended char; eos trims the char
    seqs = jnp.stack([jnp.full((BEAM_WIDTH,), BLANK_INDEX, dtype=jnp.int32),
                      char_indices.astype(jnp.int32)], axis=1)  # [W, 2]
    eos_mask = (char_indices == EOS_INDEX)[:, None]
    seqs = jnp.where(eos_mask, jnp.array([BLANK_INDEX, -1], dtype=jnp.int32), seqs)
    batch_seqs = jnp.broadcast_to(seqs[None], (batch_size, BEAM_WIDTH, 2))
    return top_scores, log_scores, batch_seqs, next_indices

if __name__ == "__main__":
    import jax
    _d = setup_inputs()
    print(jax.jit(kernel)(*tuple(_d.values())))

</pallas_src>

<mosaic_0001>
#map = affine_map<(d0, d1) -> (0, 0)>
module attributes {stable_mosaic.version = 14 : i64} {
  func.func @rowstats(%arg0: i32, %arg1: i32, %arg2: memref<32x100000xf32, #tpu.memory_space<hbm>>, %arg3: memref<32x16xf32, #tpu.memory_space<hbm>>, %arg4: memref<32x16xi32, #tpu.memory_space<hbm>>, %arg5: memref<100000xf32, #tpu.memory_space<vmem>>, %arg6: memref<16xf32, #tpu.memory_space<vmem>>, %arg7: memref<16xi32, #tpu.memory_space<vmem>>, %arg8: memref<!tpu.dma_semaphore, #tpu.memory_space<semaphore_mem>>, %arg9: memref<!tpu.dma_semaphore, #tpu.memory_space<semaphore_mem>>) attributes {dimension_semantics = [#tpu.dimension_semantics<core_parallel>, #tpu.dimension_semantics<subcore_parallel>], iteration_bounds = array<i64: 2, 16>, scalar_prefetch = 0 : i64, scratch_operands = 5 : i64, tpu.core_type = #tpu.core_type<sc_vector_subcore>, window_params = [{transform_indices = #map}, {transform_indices = #map}, {transform_indices = #map}]} {
    %mul3A = arith.constant 2 : i32
    %mul3A_0 = arith.muli %arg1, %mul3A : i32
    %add3A = arith.addi %mul3A_0, %arg0 : i32
    "tpu.region"() ({
      %run_scoped3A = tpu.sem_alloc : memref<!tpu.dma_semaphore, #tpu.memory_space<semaphore_mem>>
      %dma_start3A_610 = arith.constant 0 : i32
      %dma_start3A_611 = tpu.memref_slice %arg2[%add3A, %dma_start3A_610] : memref<32x100000xf32, #tpu.memory_space<hbm>> -> memref<1x100000xf32, #tpu.memory_space<hbm>>
      %dma_start3A_612 = tpu.memref_squeeze %dma_start3A_611 : memref<1x100000xf32, #tpu.memory_space<hbm>> -> memref<100000xf32, #tpu.memory_space<hbm>>
      %dma_start3A_613 = arith.constant 0 : i32
      %dma_start3A_614 = tpu.memref_slice %arg2[%add3A, %dma_start3A_613] : memref<32x100000xf32, #tpu.memory_space<hbm>> -> memref<1x100000xf32, #tpu.memory_space<hbm>>
      %dma_start3A_615 = tpu.memref_squeeze %dma_start3A_614 : memref<1x100000xf32, #tpu.memory_space<hbm>> -> memref<100000xf32, #tpu.memory_space<hbm>>
      tpu.enqueue_dma source(%dma_start3A_615 : memref<100000xf32, #tpu.memory_space<hbm>>) target(%arg5 : memref<100000xf32, #tpu.memory_space<vmem>>) target_semaphore(%run_scoped3A : memref<!tpu.dma_semaphore, #tpu.memory_space<semaphore_mem>>)
      %dma_wait3A_616 = arith.constant 0 : i32
      %dma_wait3A_617 = tpu.memref_slice %arg2[%add3A, %dma_wait3A_616] : memref<32x100000xf32, #tpu.memory_space<hbm>> -> memref<1x100000xf32, #tpu.memory_space<hbm>>
      %dma_wait3A_618 = tpu.memref_squeeze %dma_wait3A_617 : memref<1x100000xf32, #tpu.memory_space<hbm>> -> memref<100000xf32, #tpu.memory_space<hbm>>
      %dma_wait3A_619 = arith.constant 0 : i32
      %dma_wait3A_620 = tpu.memref_slice %arg2[%add3A, %dma_wait3A_619] : memref<32x100000xf32, #tpu.memory_space<hbm>> -> memref<1x100000xf32, #tpu.memory_space<hbm>>
      %dma_wait3A_621 = tpu.memref_squeeze %dma_wait3A_620 : memref<1x100000xf32, #tpu.memory_space<hbm>> -> memref<100000xf32, #tpu.memory_space<hbm>>
      tpu.wait_dma2 semaphore(%run_scoped3A : memref<!tpu.dma_semaphore, #tpu.memory_space<semaphore_mem>>) src(%dma_wait3A_621 : memref<100000xf32, #tpu.memory_space<hbm>>) dst(%arg5 : memref<100000xf32, #tpu.memory_space<vmem>>)
      tpu.yield
    }) : () -> ()
    %iota3A = tpu.iota {dimensions = array<i32: 0>} : vector<16xi32>
    %broadcast_in_dim3A = arith.constant 0xFF800000 : f32
    %broadcast_in_dim3A_1 = vector.broadcast %broadcast_in_dim3A : f32 to vector<16xf32>
    %broadcast_in_dim3A_2 = arith.constant 0 : i32
    %broadcast_in_dim3A_3 = vector.broadcast %broadcast_in_dim3A_2 : i32 to vector<16xi32>
    %broadcast_in_dim3A_4 = arith.constant 0.000000e+00 : f32
    %broadcast_in_dim3A_5 = vector.broadcast %broadcast_in_dim3A_4 : f32 to vector<16xf32>
    %scan3A = arith.constant 0 : i32
    %scan3A_6 = arith.constant 250 : i32
    %scan3A_7 = arith.addi %scan3A, %scan3A_6 : i32
    %scan3A_8 = arith.constant 1 : i32
    %scan3A_9:3 = scf.for %scan3A_610 = %scan3A to %scan3A_7 step %scan3A_8 iter_args(%scan3A_611 = %broadcast_in_dim3A_1, %scan3A_612 = %broadcast_in_dim3A_3, %scan3A_613 = %broadcast_in_dim3A_5) -> (vector<16xf32>, vector<16xi32>, vector<16xf32>)  : i32 {
      %mul3A_614 = arith.constant 400 : i32
      %mul3A_615 = arith.muli %scan3A_610, %mul3A_614 : i32
      %add3A_616 = arith.constant 0 : i32
      %add3A_617 = arith.addi %mul3A_615, %add3A_616 : i32
      %get3A_618 = arith.index_cast %add3A_617 : i32 to index
      %get3A_619 = tpu.vector_load %arg5[%get3A_618] {strides = array<i32>} : memref<100000xf32, #tpu.memory_space<vmem>>, vector<16xf32>,
      %get3A_620 = vector.shape_cast %get3A_619 : vector<16xf32> to vector<16xf32>
      %add3A_621 = arith.constant 16 : i32
      %add3A_622 = arith.addi %mul3A_615, %add3A_621 : i32
      %get3A_623 = arith.index_cast %add3A_622 : i32 to index
      %get3A_624 = tpu.vector_load %arg5[%get3A_623] {strides = array<i32>} : memref<100000xf32, #tpu.memory_space<vmem>>, vector<16xf32>,
      %get3A_625 = vector.shape_cast %get3A_624 : vector<16xf32> to vector<16xf32>
      %add3A_626 = arith.constant 32 : i32
      %add3A_627 = arith.addi %mul3A_615, %add3A_626 : i32
      %get3A_628 = arith.index_cast %add3A_627 : i32 to index
      %get3A_629 = tpu.vector_load %arg5[%get3A_628] {strides = array<i32>} : memref<100000xf32, #tpu.memory_space<vmem>>, vector<16xf32>,
      %get3A_630 = vector.shape_cast %get3A_629 : vector<16xf32> to vector<16xf32>
      %add3A_631 = arith.constant 48 : i32
      %add3A_632 = arith.addi %mul3A_615, %add3A_631 : i32
      %get3A_633 = arith.index_cast %add3A_632 : i32 to index
      %get3A_634 = tpu.vector_load %arg5[%get3A_633] {strides = array<i32>} : memref<100000xf32, #tpu.memory_space<vmem>>, vector<16xf32>,
      %get3A_635 = vector.shape_cast %get3A_634 : vector<16xf32> to vector<16xf32>
      %add3A_636 = arith.constant 64 : i32
      %add3A_637 = arith.addi %mul3A_615, %add3A_636 : i32
      %get3A_638 = arith.index_cast %add3A_637 : i32 to index
      %get3A_639 = tpu.vector_load %arg5[%get3A_638] {strides = array<i32>} : memref<100000xf32, #tpu.memory_space<vmem>>, vector<16xf32>,
      %get3A_640 = vector.shape_cast %get3A_639 : vector<16xf32> to vector<16xf32>
      %add3A_641 = arith.constant 80 : i32
      %add3A_642 = arith.addi %mul3A_615, %add3A_641 : i32
      %get3A_643 = arith.index_cast %add3A_642 : i32 to index
      %get3A_644 = tpu.vector_load %arg5[%get3A_643] {strides = array<i32>} : memref<100000xf32, #tpu.memory_space<vmem>>, vector<16xf32>,
      %get3A_645 = vector.shape_cast %get3A_644 : vector<16xf32> to vector<16xf32>
      %add3A_646 = arith.constant 96 : i32
      %add3A_647 = arith.addi %mul3A_615, %add3A_646 : i32
      %get3A_648 = arith.index_cast %add3A_647 : i32 to index
      %get3A_649 = tpu.vector_load %arg5[%get3A_648] {strides = array<i32>} : memref<100000xf32, #tpu.memory_space<vmem>>, vector<16xf32>,
      %get3A_650 = vector.shape_cast %get3A_649 : vector<16xf32> to vector<16xf32>
      %add3A_651 = arith.constant 112 : i32
      %add3A_652 = arith.addi %mul3A_615, %add3A_651 : i32
      %get3A_653 = arith.index_cast %add3A_652 : i32 to index
      %get3A_654 = tpu.vector_load %arg5[%get3A_653] {strides = array<i32>} : memref<100000xf32, #tpu.memory_space<vmem>>, vector<16xf32>,
      %get3A_655 = vector.shape_cast %get3A_654 : vector<16xf32> to vector<16xf32>
      %add3A_656 = arith.constant 128 : i32
      %add3A_657 = arith.addi %mul3A_615, %add3A_656 : i32
      %get3A_658 = arith.index_cast %add3A_657 : i32 to index
      %get3A_659 = tpu.vector_load %arg5[%get3A_658] {strides = array<i32>} : memref<100000xf32, #tpu.memory_space<vmem>>, vector<16xf32>,
      %get3A_660 = vector.shape_cast %get3A_659 : vector<16xf32> to vector<16xf32>
      %add3A_661 = arith.constant 144 : i32
      %add3A_662 = arith.addi %mul3A_615, %add3A_661 : i32
      %get3A_663 = arith.index_cast %add3A_662 : i32 to index
      %get3A_664 = tpu.vector_load %arg5[%get3A_663] {strides = array<i32>} : memref<100000xf32, #tpu.memory_space<vmem>>, vector<16xf32>,
      %get3A_665 = vector.shape_cast %get3A_664 : vector<16xf32> to vector<16xf32>
      %add3A_666 = arith.constant 160 : i32
      %add3A_667 = arith.addi %mul3A_615, %add3A_666 : i32
      %get3A_668 = arith.index_cast %add3A_667 : i32 to index
      %get3A_669 = tpu.vector_load %arg5[%get3A_668] {strides = array<i32>} : memref<100000xf32, #tpu.memory_space<vmem>>, vector<16xf32>,
      %get3A_670 = vector.shape_cast %get3A_669 : vector<16xf32> to vector<16xf32>
      %add3A_671 = arith.constant 176 : i32
      %add3A_672 = arith.addi %mul3A_615, %add3A_671 : i32
      %get3A_673 = arith.index_cast %add3A_672 : i32 to index
      %get3A_674 = tpu.vector_load %arg5[%get3A_673] {strides = array<i32>} : memref<100000xf32, #tpu.memory_space<vmem>>, vector<16xf32>,
      %get3A_675 = vector.shape_cast %get3A_674 : vector<16xf32> to vector<16xf32>
      %add3A_676 = arith.constant 192 : i32
      %add3A_677 = arith.addi %mul3A_615, %add3A_676 : i32
      %get3A_678 = arith.index_cast %add3A_677 : i32 to index
      %get3A_679 = tpu.vector_load %arg5[%get3A_678] {strides = array<i32>} : memref<100000xf32, #tpu.memory_space<vmem>>, vector<16xf32>,
      %get3A_680 = vector.shape_cast %get3A_679 : vector<16xf32> to vector<16xf32>
      %add3A_681 = arith.constant 208 : i32
      %add3A_682 = arith.addi %mul3A_615, %add3A_681 : i32
      %get3A_683 = arith.index_cast %add3A_682 : i32 to index
      %get3A_684 = tpu.vector_load %arg5[%get3A_683] {strides = array<i32>} : memref<100000xf32, #tpu.memory_space<vmem>>, vector<16xf32>,
      %get3A_685 = vector.shape_cast %get3A_684 : vector<16xf32> to vector<16xf32>
      %add3A_686 = arith.constant 224 : i32
      %add3A_687 = arith.addi %mul3A_615, %add3A_686 : i32
      %get3A_688 = arith.index_cast %add3A_687 : i32 to index
      %get3A_689 = tpu.vector_load %arg5[%get3A_688] {strides = array<i32>} : memref<100000xf32, #tpu.memory_space<vmem>>, vector<16xf32>,
      %get3A_690 = vector.shape_cast %get3A_689 : vector<16xf32> to vector<16xf32>
      %add3A_691 = arith.constant 240 : i32
      %add3A_692 = arith.addi %mul3A_615, %add3A_691 : i32
      %get3A_693 = arith.index_cast %add3A_692 : i32 to index
      %get3A_694 = tpu.vector_load %arg5[%get3A_693] {strides = array<i32>} : memref<100000xf32, #tpu.memory_space<vmem>>, vector<16xf32>,
      %get3A_695 = vector.shape_cast %get3A_694 : vector<16xf32> to vector<16xf32>
      %add3A_696 = arith.constant 256 : i32
      %add3A_697 = arith.addi %mul3A_615, %add3A_696 : i32
      %get3A_698 = arith.index_cast %add3A_697 : i32 to index
      %get3A_699 = tpu.vector_load %arg5[%get3A_698] {strides = array<i32>} : memref<100000xf32, #tpu.memory_space<vmem>>, vector<16xf32>,
      %get3A_700 = vector.shape_cast %get3A_699 : vector<16xf32> to vector<16xf32>
      %add3A_701 = arith.constant 272 : i32
      %add3A_702 = arith.addi %mul3A_615, %add3A_701 : i32
      %get3A_703 = arith.index_cast %add3A_702 : i32 to index
      %get3A_704 = tpu.vector_load %arg5[%get3A_703] {strides = array<i32>} : memref<100000xf32, #tpu.memory_space<vmem>>, vector<16xf32>,
      %get3A_705 = vector.shape_cast %get3A_704 : vector<16xf32> to vector<16xf32>
      %add3A_706 = arith.constant 288 : i32
      %add3A_707 = arith.addi %mul3A_615, %add3A_706 : i32
      %get3A_708 = arith.index_cast %add3A_707 : i32 to index
      %get3A_709 = tpu.vector_load %arg5[%get3A_708] {strides = array<i32>} : memref<100000xf32, #tpu.memory_space<vmem>>, vector<16xf32>,
      %get3A_710 = vector.shape_cast %get3A_709 : vector<16xf32> to vector<16xf32>
      %add3A_711 = arith.constant 304 : i32
      %add3A_712 = arith.addi %mul3A_615, %add3A_711 : i32
      %get3A_713 = arith.index_cast %add3A_712 : i32 to index
      %get3A_714 = tpu.vector_load %arg5[%get3A_713] {strides = array<i32>} : memref<100000xf32, #tpu.memory_space<vmem>>, vector<16xf32>,
      %get3A_715 = vector.shape_cast %get3A_714 : vector<16xf32> to vector<16xf32>
      %add3A_716 = arith.constant 320 : i32
      %add3A_717 = arith.addi %mul3A_615, %add3A_716 : i32
      %get3A_718 = arith.index_cast %add3A_717 : i32 to index
      %get3A_719 = tpu.vector_load %arg5[%get3A_718] {strides = array<i32>} : memref<100000xf32, #tpu.memory_space<vmem>>, vector<16xf32>,
      %get3A_720 = vector.shape_cast %get3A_719 : vector<16xf32> to vector<16xf32>
      %add3A_721 = arith.constant 336 : i32
      %add3A_722 = arith.addi %mul3A_615, %add3A_721 : i32
      %get3A_723 = arith.index_cast %add3A_722 : i32 to index
      %get3A_724 = tpu.vector_load %arg5[%get3A_723] {strides = array<i32>} : memref<100000xf32, #tpu.memory_space<vmem>>, vector<16xf32>,
      %get3A_725 = vector.shape_cast %get3A_724 : vector<16xf32> to vector<16xf32>
      %add3A_726 = arith.constant 352 : i32
      %add3A_727 = arith.addi %mul3A_615, %add3A_726 : i32
      %get3A_728 = arith.index_cast %add3A_727 : i32 to index
      %get3A_729 = tpu.vector_load %arg5[%get3A_728] {strides = array<i32>} : memref<100000xf32, #tpu.memory_space<vmem>>, vector<16xf32>,
      %get3A_730 = vector.shape_cast %get3A_729 : vector<16xf32> to vector<16xf32>
      %add3A_731 = arith.constant 368 : i32
      %add3A_732 = arith.addi %mul3A_615, %add3A_731 : i32
      %get3A_733 = arith.index_cast %add3A_732 : i32 to index
      %get3A_734 = tpu.vector_load %arg5[%get3A_733] {strides = array<i32>} : memref<100000xf32, #tpu.memory_space<vmem>>, vector<16xf32>,
      %get3A_735 = vector.shape_cast %get3A_734 : vector<16xf32> to vector<16xf32>
      %add3A_736 = arith.constant 384 : i32
      %add3A_737 = arith.addi %mul3A_615, %add3A_736 : i32
      %get3A_738 = arith.index_cast %add3A_737 : i32 to index
      %get3A_739 = tpu.vector_load %arg5[%get3A_738] {strides = array<i32>} : memref<100000xf32, #tpu.memory_space<vmem>>, vector<16xf32>,
      %get3A_740 = vector.shape_cast %get3A_739 : vector<16xf32> to vector<16xf32>
      %max3A_741 = arith.maximumf %get3A_620, %get3A_625 : vector<16xf32>
      %max3A_742 = arith.maximumf %get3A_630, %get3A_635 : vector<16xf32>
      %max3A_743 = arith.maximumf %get3A_640, %get3A_645 : vector<16xf32>
      %max3A_744 = arith.maximumf %get3A_650, %get3A_655 : vector<16xf32>
      %max3A_745 = arith.maximumf %get3A_660, %get3A_665 : vector<16xf32>
      %max3A_746 = arith.maximumf %get3A_670, %get3A_675 : vector<16xf32>
      %max3A_747 = arith.maximumf %get3A_680, %get3A_685 : vector<16xf32>
      %max3A_748 = arith.maximumf %get3A_690, %get3A_695 : vector<16xf32>
      %max3A_749 = arith.maximumf %get3A_700, %get3A_705 : vector<16xf32>
      %max3A_750 = arith.maximumf %get3A_710, %get3A_715 : vector<16xf32>
      %max3A_751 = arith.maximumf %get3A_720, %get3A_725 : vector<16xf32>
      %max3A_752 = arith.maximumf %get3A_730, %get3A_735 : vector<16xf32>
      %max3A_753 = arith.maximumf %max3A_741, %max3A_742 : vector<16xf32>
      %max3A_754 = arith.maximumf %max3A_743, %max3A_744 : vector<16xf32>
      %max3A_755 = arith.maximumf %max3A_745, %max3A_746 : vector<16xf32>
      %max3A_756 = arith.maximumf %max3A_747, %max3A_748 : vector<16xf32>
      %max3A_757 = arith.maximumf %max3A_749, %max3A_750 : vector<16xf32>
      %max3A_758 = arith.maximumf %max3A_751, %max3A_752 : vector<16xf32>
      %max3A_759 = arith.maximumf %max3A_753, %max3A_754 : vector<16xf32>
      %max3A_760 = arith.maximumf %max3A_755, %max3A_756 : vector<16xf32>
      %max3A_761 = arith.maximumf %max3A_757, %max3A_758 : vector<16xf32>
      %max3A_762 = arith.maximumf %max3A_759, %max3A_760 : vector<16xf32>
      %max3A_763 = arith.maximumf %max3A_761, %get3A_740 : vector<16xf32>
      %max3A_764 = arith.maximumf %max3A_762, %max3A_763 : vector<16xf32>
      %gt3A = arith.cmpf ogt, %max3A_764, %scan3A_611 : vector<16xf32>
      %broadcast_in_dim3A_765 = vector.broadcast %scan3A_610 : i32 to vector<16xi32>
      %select_n3A_766 = arith.select %gt3A, %broadcast_in_dim3A_765, %scan3A_612 : vector<16xi1>, vector<16xi32>
      %max3A_767 = arith.maximumf %scan3A_611, %max3A_764 : vector<16xf32>
      %exp3A_768 = math.exp %get3A_620 : vector<16xf32>
      %exp3A_769 = math.exp %get3A_625 : vector<16xf32>
      %exp3A_770 = math.exp %get3A_630 : vector<16xf32>
      %exp3A_771 = math.exp %get3A_635 : vector<16xf32>
      %exp3A_772 = math.exp %get3A_640 : vector<16xf32>
      %exp3A_773 = math.exp %get3A_645 : vector<16xf32>
      %exp3A_774 = math.exp %get3A_650 : vector<16xf32>
      %exp3A_775 = math.exp %get3A_655 : vector<16xf32>
      %exp3A_776 = math.exp %get3A_660 : vector<16xf32>
      %exp3A_777 = math.exp %get3A_665 : vector<16xf32>
      %exp3A_778 = math.exp %get3A_670 : vector<16xf32>
      %exp3A_779 = math.exp %get3A_675 : vector<16xf32>
      %exp3A_780 = math.exp %get3A_680 : vector<16xf32>
      %exp3A_781 = math.exp %get3A_685 : vector<16xf32>
      %exp3A_782 = math.exp %get3A_690 : vector<16xf32>
      %exp3A_783 = math.exp %get3A_695 : vector<16xf32>
      %exp3A_784 = math.exp %get3A_700 : vector<16xf32>
      %exp3A_785 = math.exp %get3A_705 : vector<16xf32>
      %exp3A_786 = math.exp %get3A_710 : vector<16xf32>
      %exp3A_787 = math.exp %get3A_715 : vector<16xf32>
      %exp3A_788 = math.exp %get3A_720 : vector<16xf32>
      %exp3A_789 = math.exp %get3A_725 : vector<16xf32>
      %exp3A_790 = math.exp %get3A_730 : vector<16xf32>
      %exp3A_791 = math.exp %get3A_735 : vector<16xf32>
      %exp3A_792 = math.exp %get3A_740 : vector<16xf32>
      %add3A_793 = arith.addf %exp3A_768, %exp3A_769 : vector<16xf32>
      %add3A_794 = arith.addf %exp3A_770, %exp3A_771 : vector<16xf32>
      %add3A_795 = arith.addf %exp3A_772, %exp3A_773 : vector<16xf32>
      %add3A_796 = arith.addf %exp3A_774, %exp3A_775 : vector<16xf32>
      %add3A_797 = arith.addf %exp3A_776, %exp3A_777 : vector<16xf32>
      %add3A_798 = arith.addf %exp3A_778, %exp3A_779 : vector<16xf32>
      %add3A_799 = arith.addf %exp3A_780, %exp3A_781 : vector<16xf32>
      %add3A_800 = arith.addf %exp3A_782, %exp3A_783 : vector<16xf32>
      %add3A_801 = arith.addf %exp3A_784, %exp3A_785 : vector<16xf32>
      %add3A_802 = arith.addf %exp3A_786, %exp3A_787 : vector<16xf32>
      %add3A_803 = arith.addf %exp3A_788, %exp3A_789 : vector<16xf32>
      %add3A_804 = arith.addf %exp3A_790, %exp3A_791 : vector<16xf32>
      %add3A_805 = arith.addf %add3A_793, %add3A_794 : vector<16xf32>
      %add3A_806 = arith.addf %add3A_795, %add3A_796 : vector<16xf32>
      %add3A_807 = arith.addf %add3A_797, %add3A_798 : vector<16xf32>
      %add3A_808 = arith.addf %add3A_799, %add3A_800 : vector<16xf32>
      %add3A_809 = arith.addf %add3A_801, %add3A_802 : vector<16xf32>
      %add3A_810 = arith.addf %add3A_803, %add3A_804 : vector<16xf32>
      %add3A_811 = arith.addf %add3A_805, %add3A_806 : vector<16xf32>
      %add3A_812 = arith.addf %add3A_807, %add3A_808 : vector<16xf32>
      %add3A_813 = arith.addf %add3A_809, %add3A_810 : vector<16xf32>
      %add3A_814 = arith.addf %add3A_811, %add3A_812 : vector<16xf32>
      %add3A_815 = arith.addf %add3A_813, %exp3A_792 : vector<16xf32>
      %add3A_816 = arith.addf %add3A_814, %add3A_815 : vector<16xf32>
      %add3A_817 = arith.addf %scan3A_613, %add3A_816 : vector<16xf32>
      scf.yield %max3A_767, %select_n3A_766, %add3A_817 : vector<16xf32>, vector<16xi32>, vector<16xf32>
    }
    %scan3A_10 = arith.constant 250 : i32
    %xor3A = arith.constant 1 : i32
    %xor3A_11 = vector.broadcast %xor3A : i32 to vector<16xi32>
    %xor3A_12 = arith.xori %iota3A, %xor3A_11 : vector<16xi32>
    %lt3A = arith.constant 0 : i32
    %lt3A_13 = vector.broadcast %lt3A : i32 to vector<16xi32>
    %lt3A_14 = arith.cmpi slt, %xor3A_12, %lt3A_13 : vector<16xi32>
    %add3A_15 = arith.constant 16 : i32
    %add3A_16 = vector.broadcast %add3A_15 : i32 to vector<16xi32>
    %add3A_17 = arith.addi %xor3A_12, %add3A_16 : vector<16xi32>
    %select_n3A = arith.select %lt3A_14, %add3A_17, %xor3A_12 : vector<16xi1>, vector<16xi32>
    %broadcast_in_dim3A_18 = vector.shape_cast %select_n3A : vector<16xi32> to vector<16x1xi32>
    %gather3A = vector.shape_cast %broadcast_in_dim3A_18 : vector<16x1xi32> to vector<16xi32>
    %gather3A_19 = tpu.dynamic_gather %scan3A_9#0[%gather3A] in [0] : vector<16xf32>, vector<16xi32> -> vector<16xf32>
    %max3A = arith.maximumf %scan3A_9#0, %gather3A_19 : vector<16xf32>
    %xor3A_20 = arith.constant 2 : i32
    %xor3A_21 = vector.broadcast %xor3A_20 : i32 to vector<16xi32>
    %xor3A_22 = arith.xori %iota3A, %xor3A_21 : vector<16xi32>
    %lt3A_23 = arith.constant 0 : i32
    %lt3A_24 = vector.broadcast %lt3A_23 : i32 to vector<16xi32>
    %lt3A_25 = arith.cmpi slt, %xor3A_22, %lt3A_24 : vector<16xi32>
    %add3A_26 = arith.constant 16 : i32
    %add3A_27 = vector.broadcast %add3A_26 : i32 to vector<16xi32>
    %add3A_28 = arith.addi %xor3A_22, %add3A_27 : vector<16xi32>
    %select_n3A_29 = arith.select %lt3A_25, %add3A_28, %xor3A_22 : vector<16xi1>, vector<16xi32>
    %broadcast_in_dim3A_30 = vector.shape_cast %select_n3A_29 : vector<16xi32> to vector<16x1xi32>
    %gather3A_31 = vector.shape_cast %broadcast_in_dim3A_30 : vector<16x1xi32> to vector<16xi32>
    %gather3A_32 = tpu.dynamic_gather %max3A[%gather3A_31] in [0] : vector<16xf32>, vector<16xi32> -> vector<16xf32>
    %max3A_33 = arith.maximumf %max3A, %gather3A_32 : vector<16xf32>
    %xor3A_34 = arith.constant 4 : i32
    %xor3A_35 = vector.broadcast %xor3A_34 : i32 to vector<16xi32>
    %xor3A_36 = arith.xori %iota3A, %xor3A_35 : vector<16xi32>
    %lt3A_37 = arith.constant 0 : i32
    %lt3A_38 = vector.broadcast %lt3A_37 : i32 to vector<16xi32>
    %lt3A_39 = arith.cmpi slt, %xor3A_36, %lt3A_38 : vector<16xi32>
    %add3A_40 = arith.constant 16 : i32
    %add3A_41 = vector.broadcast %add3A_40 : i32 to vector<16xi32>
    %add3A_42 = arith.addi %xor3A_36, %add3A_41 : vector<16xi32>
    %select_n3A_43 = arith.select %lt3A_39, %add3A_42, %xor3A_36 : vector<16xi1>, vector<16xi32>
    %broadcast_in_dim3A_44 = vector.shape_cast %select_n3A_43 : vector<16xi32> to vector<16x1xi32>
    %gather3A_45 = vector.shape_cast %broadcast_in_dim3A_44 : vector<16x1xi32> to vector<16xi32>
    %gather3A_46 = tpu.dynamic_gather %max3A_33[%gather3A_45] in [0] : vector<16xf32>, vector<16xi32> -> vector<16xf32>
    %max3A_47 = arith.maximumf %max3A_33, %gather3A_46 : vector<16xf32>
    %xor3A_48 = arith.constant 8 : i32
    %xor3A_49 = vector.broadcast %xor3A_48 : i32 to vector<16xi32>
    %xor3A_50 = arith.xori %iota3A, %xor3A_49 : vector<16xi32>
    %lt3A_51 = arith.constant 0 : i32
    %lt3A_52 = vector.broadcast %lt3A_51 : i32 to vector<16xi32>
    %lt3A_53 = arith.cmpi slt, %xor3A_50, %lt3A_52 : vector<16xi32>
    %add3A_54 = arith.constant 16 : i32
    %add3A_55 = vector.broadcast %add3A_54 : i32 to vector<16xi32>
    %add3A_56 = arith.addi %xor3A_50, %add3A_55 : vector<16xi32>
    %select_n3A_57 = arith.select %lt3A_53, %add3A_56, %xor3A_50 : vector<16xi1>, vector<16xi32>
    %broadcast_in_dim3A_58 = vector.shape_cast %select_n3A_57 : vector<16xi32> to vector<16x1xi32>
    %gather3A_59 = vector.shape_cast %broadcast_in_dim3A_58 : vector<16x1xi32> to vector<16xi32>
    %gather3A_60 = tpu.dynamic_gather %max3A_47[%gather3A_59] in [0] : vector<16xf32>, vector<16xi32> -> vector<16xf32>
    %max3A_61 = arith.maximumf %max3A_47, %gather3A_60 : vector<16xf32>
    %eq3A = arith.cmpf oeq, %scan3A_9#0, %max3A_61 : vector<16xf32>
    %jit3A = arith.constant 250 : i32
    %broadcast_in_dim3A_62 = vector.broadcast %jit3A : i32 to vector<16xi32>
    %select_n3A_63 = arith.select %eq3A, %scan3A_9#1, %broadcast_in_dim3A_62 : vector<16xi1>, vector<16xi32>
    %xor3A_64 = arith.constant 1 : i32
    %xor3A_65 = vector.broadcast %xor3A_64 : i32 to vector<16xi32>
    %xor3A_66 = arith.xori %iota3A, %xor3A_65 : vector<16xi32>
    %lt3A_67 = arith.constant 0 : i32
    %lt3A_68 = vector.broadcast %lt3A_67 : i32 to vector<16xi32>
    %lt3A_69 = arith.cmpi slt, %xor3A_66, %lt3A_68 : vector<16xi32>
    %add3A_70 = arith.constant 16 : i32
    %add3A_71 = vector.broadcast %add3A_70 : i32 to vector<16xi32>
    %add3A_72 = arith.addi %xor3A_66, %add3A_71 : vector<16xi32>
    %select_n3A_73 = arith.select %lt3A_69, %add3A_72, %xor3A_66 : vector<16xi1>, vector<16xi32>
    %broadcast_in_dim3A_74 = vector.shape_cast %select_n3A_73 : vector<16xi32> to vector<16x1xi32>
    %gather3A_75 = vector.shape_cast %broadcast_in_dim3A_74 : vector<16x1xi32> to vector<16xi32>
    %gather3A_76 = tpu.dynamic_gather %select_n3A_63[%gather3A_75] in [0] : vector<16xi32>, vector<16xi32> -> vector<16xi32>
    %min3A = arith.minsi %select_n3A_63, %gather3A_76 : vector<16xi32>
    %xor3A_77 = arith.constant 2 : i32
    %xor3A_78 = vector.broadcast %xor3A_77 : i32 to vector<16xi32>
    %xor3A_79 = arith.xori %iota3A, %xor3A_78 : vector<16xi32>
    %lt3A_80 = arith.constant 0 : i32
    %lt3A_81 = vector.broadcast %lt3A_80 : i32 to vector<16xi32>
    %lt3A_82 = arith.cmpi slt, %xor3A_79, %lt3A_81 : vector<16xi32>
    %add3A_83 = arith.constant 16 : i32
    %add3A_84 = vector.broadcast %add3A_83 : i32 to vector<16xi32>
    %add3A_85 = arith.addi %xor3A_79, %add3A_84 : vector<16xi32>
    %select_n3A_86 = arith.select %lt3A_82, %add3A_85, %xor3A_79 : vector<16xi1>, vector<16xi32>
    %broadcast_in_dim3A_87 = vector.shape_cast %select_n3A_86 : vector<16xi32> to vector<16x1xi32>
    %gather3A_88 = vector.shape_cast %broadcast_in_dim3A_87 : vector<16x1xi32> to vector<16xi32>
    %gather3A_89 = tpu.dynamic_gather %min3A[%gather3A_88] in [0] : vector<16xi32>, vector<16xi32> -> vector<16xi32>
    %min3A_90 = arith.minsi %min3A, %gather3A_89 : vector<16xi32>
    %xor3A_91 = arith.constant 4 : i32
    %xor3A_92 = vector.broadcast %xor3A_91 : i32 to vector<16xi32>
    %xor3A_93 = arith.xori %iota3A, %xor3A_92 : vector<16xi32>
    %lt3A_94 = arith.constant 0 : i32
    %lt3A_95 = vector.broadcast %lt3A_94 : i32 to vector<16xi32>
    %lt3A_96 = arith.cmpi slt, %xor3A_93, %lt3A_95 : vector<16xi32>
    %add3A_97 = arith.constant 16 : i32
    %add3A_98 = vector.broadcast %add3A_97 : i32 to vector<16xi32>
    %add3A_99 = arith.addi %xor3A_93, %add3A_98 : vector<16xi32>
    %select_n3A_100 = arith.select %lt3A_96, %add3A_99, %xor3A_93 : vector<16xi1>, vector<16xi32>
    %broadcast_in_dim3A_101 = vector.shape_cast %select_n3A_100 : vector<16xi32> to vector<16x1xi32>
    %gather3A_102 = vector.shape_cast %broadcast_in_dim3A_101 : vector<16x1xi32> to vector<16xi32>
    %gather3A_103 = tpu.dynamic_gather %min3A_90[%gather3A_102] in [0] : vector<16xi32>, vector<16xi32> -> vector<16xi32>
    %min3A_104 = arith.minsi %min3A_90, %gather3A_103 : vector<16xi32>
    %xor3A_105 = arith.constant 8 : i32
    %xor3A_106 = vector.broadcast %xor3A_105 : i32 to vector<16xi32>
    %xor3A_107 = arith.xori %iota3A, %xor3A_106 : vector<16xi32>
    %lt3A_108 = arith.constant 0 : i32
    %lt3A_109 = vector.broadcast %lt3A_108 : i32 to vector<16xi32>
    %lt3A_110 = arith.cmpi slt, %xor3A_107, %lt3A_109 : vector<16xi32>
    %add3A_111 = arith.constant 16 : i32
    %add3A_112 = vector.broadcast %add3A_111 : i32 to vector<16xi32>
    %add3A_113 = arith.addi %xor3A_107, %add3A_112 : vector<16xi32>
    %select_n3A_114 = arith.select %lt3A_110, %add3A_113, %xor3A_107 : vector<16xi1>, vector<16xi32>
    %broadcast_in_dim3A_115 = vector.shape_cast %select_n3A_114 : vector<16xi32> to vector<16x1xi32>
    %gather3A_116 = vector.shape_cast %broadcast_in_dim3A_115 : vector<16x1xi32> to vector<16xi32>
    %gather3A_117 = tpu.dynamic_gather %min3A_104[%gather3A_116] in [0] : vector<16xi32>, vector<16xi32> -> vector<16xi32>
    %min3A_118 = arith.minsi %min3A_104, %gather3A_117 : vector<16xi32>
    %slice3A = vector.extract_strided_slice %min3A_118 {offsets = [0], sizes = [1], strides = [1]} : vector<16xi32> to vector<1xi32>
    %squeeze3A = vector.extract %slice3A[0] : i32 from vector<1xi32>
    %mul3A_119 = arith.constant 400 : i32
    %mul3A_120 = arith.muli %squeeze3A, %mul3A_119 : i32
    %add3A_121 = arith.constant 0 : i32
    %add3A_122 = arith.addi %mul3A_120, %add3A_121 : i32
    %get3A = arith.index_cast %add3A_122 : i32 to index
    %get3A_123 = tpu.vector_load %arg5[%get3A] {strides = array<i32>} : memref<100000xf32, #tpu.memory_space<vmem>>, vector<16xf32>,
    %get3A_124 = vector.shape_cast %get3A_123 : vector<16xf32> to vector<16xf32>
    %eq3A_125 = arith.cmpf oeq, %get3A_124, %max3A_61 : vector<16xf32>
    %add3A_126 = arith.constant 0 : i32
    %add3A_127 = arith.addi %mul3A_120, %add3A_126 : i32
    %add3A_128 = vector.broadcast %add3A_127 : i32 to vector<16xi32>
    %add3A_129 = arith.addi %add3A_128, %iota3A : vector<16xi32>
    %jit3A_130 = arith.constant 100000 : i32
    %broadcast_in_dim3A_131 = vector.broadcast %jit3A_130 : i32 to vector<16xi32>
    %select_n3A_132 = arith.select %eq3A_125, %add3A_129, %broadcast_in_dim3A_131 : vector<16xi1>, vector<16xi32>
    %add3A_133 = arith.constant 16 : i32
    %add3A_134 = arith.addi %mul3A_120, %add3A_133 : i32
    %get3A_135 = arith.index_cast %add3A_134 : i32 to index
    %get3A_136 = tpu.vector_load %arg5[%get3A_135] {strides = array<i32>} : memref<100000xf32, #tpu.memory_space<vmem>>, vector<16xf32>,
    %get3A_137 = vector.shape_cast %get3A_136 : vector<16xf32> to vector<16xf32>
    %eq3A_138 = arith.cmpf oeq, %get3A_137, %max3A_61 : vector<16xf32>
    %add3A_139 = arith.constant 16 : i32
    %add3A_140 = arith.addi %mul3A_120, %add3A_139 : i32
    %add3A_141 = vector.broadcast %add3A_140 : i32 to vector<16xi32>
    %add3A_142 = arith.addi %add3A_141, %iota3A : vector<16xi32>
    %jit3A_143 = arith.constant 100000 : i32
    %broadcast_in_dim3A_144 = vector.broadcast %jit3A_143 : i32 to vector<16xi32>
    %select_n3A_145 = arith.select %eq3A_138, %add3A_142, %broadcast_in_dim3A_144 : vector<16xi1>, vector<16xi32>
    %add3A_146 = arith.constant 32 : i32
    %add3A_147 = arith.addi %mul3A_120, %add3A_146 : i32
    %get3A_148 = arith.index_cast %add3A_147 : i32 to index
    %get3A_149 = tpu.vector_load %arg5[%get3A_148] {strides = array<i32>} : memref<100000xf32, #tpu.memory_space<vmem>>, vector<16xf32>,
    %get3A_150 = vector.shape_cast %get3A_149 : vector<16xf32> to vector<16xf32>
    %eq3A_151 = arith.cmpf oeq, %get3A_150, %max3A_61 : vector<16xf32>
    %add3A_152 = arith.constant 32 : i32
    %add3A_153 = arith.addi %mul3A_120, %add3A_152 : i32
    %add3A_154 = vector.broadcast %add3A_153 : i32 to vector<16xi32>
    %add3A_155 = arith.addi %add3A_154, %iota3A : vector<16xi32>
    %jit3A_156 = arith.constant 100000 : i32
    %broadcast_in_dim3A_157 = vector.broadcast %jit3A_156 : i32 to vector<16xi32>
    %select_n3A_158 = arith.select %eq3A_151, %add3A_155, %broadcast_in_dim3A_157 : vector<16xi1>, vector<16xi32>
    %add3A_159 = arith.constant 48 : i32
    %add3A_160 = arith.addi %mul3A_120, %add3A_159 : i32
    %get3A_161 = arith.index_cast %add3A_160 : i32 to index
    %get3A_162 = tpu.vector_load %arg5[%get3A_161] {strides = array<i32>} : memref<100000xf32, #tpu.memory_space<vmem>>, vector<16xf32>,
    %get3A_163 = vector.shape_cast %get3A_162 : vector<16xf32> to vector<16xf32>
    %eq3A_164 = arith.cmpf oeq, %get3A_163, %max3A_61 : vector<16xf32>
    %add3A_165 = arith.constant 48 : i32
    %add3A_166 = arith.addi %mul3A_120, %add3A_165 : i32
    %add3A_167 = vector.broadcast %add3A_166 : i32 to vector<16xi32>
    %add3A_168 = arith.addi %add3A_167, %iota3A : vector<16xi32>
    %jit3A_169 = arith.constant 100000 : i32
    %broadcast_in_dim3A_170 = vector.broadcast %jit3A_169 : i32 to vector<16xi32>
    %select_n3A_171 = arith.select %eq3A_164, %add3A_168, %broadcast_in_dim3A_170 : vector<16xi1>, vector<16xi32>
    %add3A_172 = arith.constant 64 : i32
    %add3A_173 = arith.addi %mul3A_120, %add3A_172 : i32
    %get3A_174 = arith.index_cast %add3A_173 : i32 to index
    %get3A_175 = tpu.vector_load %arg5[%get3A_174] {strides = array<i32>} : memref<100000xf32, #tpu.memory_space<vmem>>, vector<16xf32>,
    %get3A_176 = vector.shape_cast %get3A_175 : vector<16xf32> to vector<16xf32>
    %eq3A_177 = arith.cmpf oeq, %get3A_176, %max3A_61 : vector<16xf32>
    %add3A_178 = arith.constant 64 : i32
    %add3A_179 = arith.addi %mul3A_120, %add3A_178 : i32
    %add3A_180 = vector.broadcast %add3A_179 : i32 to vector<16xi32>
    %add3A_181 = arith.addi %add3A_180, %iota3A : vector<16xi32>
    %jit3A_182 = arith.constant 100000 : i32
    %broadcast_in_dim3A_183 = vector.broadcast %jit3A_182 : i32 to vector<16xi32>
    %select_n3A_184 = arith.select %eq3A_177, %add3A_181, %broadcast_in_dim3A_183 : vector<16xi1>, vector<16xi32>
    %add3A_185 = arith.constant 80 : i32
    %add3A_186 = arith.addi %mul3A_120, %add3A_185 : i32
    %get3A_187 = arith.index_cast %add3A_186 : i32 to index
    %get3A_188 = tpu.vector_load %arg5[%get3A_187] {strides = array<i32>} : memref<100000xf32, #tpu.memory_space<vmem>>, vector<16xf32>,
    %get3A_189 = vector.shape_cast %get3A_188 : vector<16xf32> to vector<16xf32>
    %eq3A_190 = arith.cmpf oeq, %get3A_189, %max3A_61 : vector<16xf32>
    %add3A_191 = arith.constant 80 : i32
    %add3A_192 = arith.addi %mul3A_120, %add3A_191 : i32
    %add3A_193 = vector.broadcast %add3A_192 : i32 to vector<16xi32>
    %add3A_194 = arith.addi %add3A_193, %iota3A : vector<16xi32>
    %jit3A_195 = arith.constant 100000 : i32
    %broadcast_in_dim3A_196 = vector.broadcast %jit3A_195 : i32 to vector<16xi32>
    %select_n3A_197 = arith.select %eq3A_190, %add3A_194, %broadcast_in_dim3A_196 : vector<16xi1>, vector<16xi32>
    %add3A_198 = arith.constant 96 : i32
    %add3A_199 = arith.addi %mul3A_120, %add3A_198 : i32
    %get3A_200 = arith.index_cast %add3A_199 : i32 to index
    %get3A_201 = tpu.vector_load %arg5[%get3A_200] {strides = array<i32>} : memref<100000xf32, #tpu.memory_space<vmem>>, vector<16xf32>,
    %get3A_202 = vector.shape_cast %get3A_201 : vector<16xf32> to vector<16xf32>
    %eq3A_203 = arith.cmpf oeq, %get3A_202, %max3A_61 : vector<16xf32>
    %add3A_204 = arith.constant 96 : i32
    %add3A_205 = arith.addi %mul3A_120, %add3A_204 : i32
    %add3A_206 = vector.broadcast %add3A_205 : i32 to vector<16xi32>
    %add3A_207 = arith.addi %add3A_206, %iota3A : vector<16xi32>
    %jit3A_208 = arith.constant 100000 : i32
    %broadcast_in_dim3A_209 = vector.broadcast %jit3A_208 : i32 to vector<16xi32>
    %select_n3A_210 = arith.select %eq3A_203, %add3A_207, %broadcast_in_dim3A_209 : vector<16xi1>, vector<16xi32>
    %add3A_211 = arith.constant 112 : i32
    %add3A_212 = arith.addi %mul3A_120, %add3A_211 : i32
    %get3A_213 = arith.index_cast %add3A_212 : i32 to index
    %get3A_214 = tpu.vector_load %arg5[%get3A_213] {strides = array<i32>} : memref<100000xf32, #tpu.memory_space<vmem>>, vector<16xf32>,
    %get3A_215 = vector.shape_cast %get3A_214 : vector<16xf32> to vector<16xf32>
    %eq3A_216 = arith.cmpf oeq, %get3A_215, %max3A_61 : vector<16xf32>
    %add3A_217 = arith.constant 112 : i32
    %add3A_218 = arith.addi %mul3A_120, %add3A_217 : i32
    %add3A_219 = vector.broadcast %add3A_218 : i32 to vector<16xi32>
    %add3A_220 = arith.addi %add3A_219, %iota3A : vector<16xi32>
    %jit3A_221 = arith.constant 100000 : i32
    %broadcast_in_dim3A_222 = vector.broadcast %jit3A_221 : i32 to vector<16xi32>
    %select_n3A_223 = arith.select %eq3A_216, %add3A_220, %broadcast_in_dim3A_222 : vector<16xi1>, vector<16xi32>
    %add3A_224 = arith.constant 128 : i32
    %add3A_225 = arith.addi %mul3A_120, %add3A_224 : i32
    %get3A_226 = arith.index_cast %add3A_225 : i32 to index
    %get3A_227 = tpu.vector_load %arg5[%get3A_226] {strides = array<i32>} : memref<100000xf32, #tpu.memory_space<vmem>>, vector<16xf32>,
    %get3A_228 = vector.shape_cast %get3A_227 : vector<16xf32> to vector<16xf32>
    %eq3A_229 = arith.cmpf oeq, %get3A_228, %max3A_61 : vector<16xf32>
    %add3A_230 = arith.constant 128 : i32
    %add3A_231 = arith.addi %mul3A_120, %add3A_230 : i32
    %add3A_232 = vector.broadcast %add3A_231 : i32 to vector<16xi32>
    %add3A_233 = arith.addi %add3A_232, %iota3A : vector<16xi32>
    %jit3A_234 = arith.constant 100000 : i32
    %broadcast_in_dim3A_235 = vector.broadcast %jit3A_234 : i32 to vector<16xi32>
    %select_n3A_236 = arith.select %eq3A_229, %add3A_233, %broadcast_in_dim3A_235 : vector<16xi1>, vector<16xi32>
    %add3A_237 = arith.constant 144 : i32
    %add3A_238 = arith.addi %mul3A_120, %add3A_237 : i32
    %get3A_239 = arith.index_cast %add3A_238 : i32 to index
    %get3A_240 = tpu.vector_load %arg5[%get3A_239] {strides = array<i32>} : memref<100000xf32, #tpu.memory_space<vmem>>, vector<16xf32>,
    %get3A_241 = vector.shape_cast %get3A_240 : vector<16xf32> to vector<16xf32>
    %eq3A_242 = arith.cmpf oeq, %get3A_241, %max3A_61 : vector<16xf32>
    %add3A_243 = arith.constant 144 : i32
    %add3A_244 = arith.addi %mul3A_120, %add3A_243 : i32
    %add3A_245 = vector.broadcast %add3A_244 : i32 to vector<16xi32>
    %add3A_246 = arith.addi %add3A_245, %iota3A : vector<16xi32>
    %jit3A_247 = arith.constant 100000 : i32
    %broadcast_in_dim3A_248 = vector.broadcast %jit3A_247 : i32 to vector<16xi32>
    %select_n3A_249 = arith.select %eq3A_242, %add3A_246, %broadcast_in_dim3A_248 : vector<16xi1>, vector<16xi32>
    %add3A_250 = arith.constant 160 : i32
    %add3A_251 = arith.addi %mul3A_120, %add3A_250 : i32
    %get3A_252 = arith.index_cast %add3A_251 : i32 to index
    %get3A_253 = tpu.vector_load %arg5[%get3A_252] {strides = array<i32>} : memref<100000xf32, #tpu.memory_space<vmem>>, vector<16xf32>,
    %get3A_254 = vector.shape_cast %get3A_253 : vector<16xf32> to vector<16xf32>
    %eq3A_255 = arith.cmpf oeq, %get3A_254, %max3A_61 : vector<16xf32>
    %add3A_256 = arith.constant 160 : i32
    %add3A_257 = arith.addi %mul3A_120, %add3A_256 : i32
    %add3A_258 = vector.broadcast %add3A_257 : i32 to vector<16xi32>
    %add3A_259 = arith.addi %add3A_258, %iota3A : vector<16xi32>
    %jit3A_260 = arith.constant 100000 : i32
    %broadcast_in_dim3A_261 = vector.broadcast %jit3A_260 : i32 to vector<16xi32>
    %select_n3A_262 = arith.select %eq3A_255, %add3A_259, %broadcast_in_dim3A_261 : vector<16xi1>, vector<16xi32>
    %add3A_263 = arith.constant 176 : i32
    %add3A_264 = arith.addi %mul3A_120, %add3A_263 : i32
    %get3A_265 = arith.index_cast %add3A_264 : i32 to index
    %get3A_266 = tpu.vector_load %arg5[%get3A_265] {strides = array<i32>} : memref<100000xf32, #tpu.memory_space<vmem>>, vector<16xf32>,
    %get3A_267 = vector.shape_cast %get3A_266 : vector<16xf32> to vector<16xf32>
    %eq3A_268 = arith.cmpf oeq, %get3A_267, %max3A_61 : vector<16xf32>
    %add3A_269 = arith.constant 176 : i32
    %add3A_270 = arith.addi %mul3A_120, %add3A_269 : i32
    %add3A_271 = vector.broadcast %add3A_270 : i32 to vector<16xi32>
    %add3A_272 = arith.addi %add3A_271, %iota3A : vector<16xi32>
    %jit3A_273 = arith.constant 100000 : i32
    %broadcast_in_dim3A_274 = vector.broadcast %jit3A_273 : i32 to vector<16xi32>
    %select_n3A_275 = arith.select %eq3A_268, %add3A_272, %broadcast_in_dim3A_274 : vector<16xi1>, vector<16xi32>
    %add3A_276 = arith.constant 192 : i32
    %add3A_277 = arith.addi %mul3A_120, %add3A_276 : i32
    %get3A_278 = arith.index_cast %add3A_277 : i32 to index
    %get3A_279 = tpu.vector_load %arg5[%get3A_278] {strides = array<i32>} : memref<100000xf32, #tpu.memory_space<vmem>>, vector<16xf32>,
    %get3A_280 = vector.shape_cast %get3A_279 : vector<16xf32> to vector<16xf32>
    %eq3A_281 = arith.cmpf oeq, %get3A_280, %max3A_61 : vector<16xf32>
    %add3A_282 = arith.constant 192 : i32
    %add3A_283 = arith.addi %mul3A_120, %add3A_282 : i32
    %add3A_284 = vector.broadcast %add3A_283 : i32 to vector<16xi32>
    %add3A_285 = arith.addi %add3A_284, %iota3A : vector<16xi32>
    %jit3A_286 = arith.constant 100000 : i32
    %broadcast_in_dim3A_287 = vector.broadcast %jit3A_286 : i32 to vector<16xi32>
    %select_n3A_288 = arith.select %eq3A_281, %add3A_285, %broadcast_in_dim3A_287 : vector<16xi1>, vector<16xi32>
    %add3A_289 = arith.constant 208 : i32
    %add3A_290 = arith.addi %mul3A_120, %add3A_289 : i32
    %get3A_291 = arith.index_cast %add3A_290 : i32 to index
    %get3A_292 = tpu.vector_load %arg5[%get3A_291] {strides = array<i32>} : memref<100000xf32, #tpu.memory_space<vmem>>, vector<16xf32>,
    %get3A_293 = vector.shape_cast %get3A_292 : vector<16xf32> to vector<16xf32>
    %eq3A_294 = arith.cmpf oeq, %get3A_293, %max3A_61 : vector<16xf32>
    %add3A_295 = arith.constant 208 : i32
    %add3A_296 = arith.addi %mul3A_120, %add3A_295 : i32
    %add3A_297 = vector.broadcast %add3A_296 : i32 to vector<16xi32>
    %add3A_298 = arith.addi %add3A_297, %iota3A : vector<16xi32>
    %jit3A_299 = arith.constant 100000 : i32
    %broadcast_in_dim3A_300 = vector.broadcast %jit3A_299 : i32 to vector<16xi32>
    %select_n3A_301 = arith.select %eq3A_294, %add3A_298, %broadcast_in_dim3A_300 : vector<16xi1>, vector<16xi32>
    %add3A_302 = arith.constant 224 : i32
    %add3A_303 = arith.addi %mul3A_120, %add3A_302 : i32
    %get3A_304 = arith.index_cast %add3A_303 : i32 to index
    %get3A_305 = tpu.vector_load %arg5[%get3A_304] {strides = array<i32>} : memref<100000xf32, #tpu.memory_space<vmem>>, vector<16xf32>,
    %get3A_306 = vector.shape_cast %get3A_305 : vector<16xf32> to vector<16xf32>
    %eq3A_307 = arith.cmpf oeq, %get3A_306, %max3A_61 : vector<16xf32>
    %add3A_308 = arith.constant 224 : i32
    %add3A_309 = arith.addi %mul3A_120, %add3A_308 : i32
    %add3A_310 = vector.broadcast %add3A_309 : i32 to vector<16xi32>
    %add3A_311 = arith.addi %add3A_310, %iota3A : vector<16xi32>
    %jit3A_312 = arith.constant 100000 : i32
    %broadcast_in_dim3A_313 = vector.broadcast %jit3A_312 : i32 to vector<16xi32>
    %select_n3A_314 = arith.select %eq3A_307, %add3A_311, %broadcast_in_dim3A_313 : vector<16xi1>, vector<16xi32>
    %add3A_315 = arith.constant 240 : i32
    %add3A_316 = arith.addi %mul3A_120, %add3A_315 : i32
    %get3A_317 = arith.index_cast %add3A_316 : i32 to index
    %get3A_318 = tpu.vector_load %arg5[%get3A_317] {strides = array<i32>} : memref<100000xf32, #tpu.memory_space<vmem>>, vector<16xf32>,
    %get3A_319 = vector.shape_cast %get3A_318 : vector<16xf32> to vector<16xf32>
    %eq3A_320 = arith.cmpf oeq, %get3A_319, %max3A_61 : vector<16xf32>
    %add3A_321 = arith.constant 240 : i32
    %add3A_322 = arith.addi %mul3A_120, %add3A_321 : i32
    %add3A_323 = vector.broadcast %add3A_322 : i32 to vector<16xi32>
    %add3A_324 = arith.addi %add3A_323, %iota3A : vector<16xi32>
    %jit3A_325 = arith.constant 100000 : i32
    %broadcast_in_dim3A_326 = vector.broadcast %jit3A_325 : i32 to vector<16xi32>
    %select_n3A_327 = arith.select %eq3A_320, %add3A_324, %broadcast_in_dim3A_326 : vector<16xi1>, vector<16xi32>
    %add3A_328 = arith.constant 256 : i32
    %add3A_329 = arith.addi %mul3A_120, %add3A_328 : i32
    %get3A_330 = arith.index_cast %add3A_329 : i32 to index
    %get3A_331 = tpu.vector_load %arg5[%get3A_330] {strides = array<i32>} : memref<100000xf32, #tpu.memory_space<vmem>>, vector<16xf32>,
    %get3A_332 = vector.shape_cast %get3A_331 : vector<16xf32> to vector<16xf32>
    %eq3A_333 = arith.cmpf oeq, %get3A_332, %max3A_61 : vector<16xf32>
    %add3A_334 = arith.constant 256 : i32
    %add3A_335 = arith.addi %mul3A_120, %add3A_334 : i32
    %add3A_336 = vector.broadcast %add3A_335 : i32 to vector<16xi32>
    %add3A_337 = arith.addi %add3A_336, %iota3A : vector<16xi32>
    %jit3A_338 = arith.constant 100000 : i32
    %broadcast_in_dim3A_339 = vector.broadcast %jit3A_338 : i32 to vector<16xi32>
    %select_n3A_340 = arith.select %eq3A_333, %add3A_337, %broadcast_in_dim3A_339 : vector<16xi1>, vector<16xi32>
    %add3A_341 = arith.constant 272 : i32
    %add3A_342 = arith.addi %mul3A_120, %add3A_341 : i32
    %get3A_343 = arith.index_cast %add3A_342 : i32 to index
    %get3A_344 = tpu.vector_load %arg5[%get3A_343] {strides = array<i32>} : memref<100000xf32, #tpu.memory_space<vmem>>, vector<16xf32>,
    %get3A_345 = vector.shape_cast %get3A_344 : vector<16xf32> to vector<16xf32>
    %eq3A_346 = arith.cmpf oeq, %get3A_345, %max3A_61 : vector<16xf32>
    %add3A_347 = arith.constant 272 : i32
    %add3A_348 = arith.addi %mul3A_120, %add3A_347 : i32
    %add3A_349 = vector.broadcast %add3A_348 : i32 to vector<16xi32>
    %add3A_350 = arith.addi %add3A_349, %iota3A : vector<16xi32>
    %jit3A_351 = arith.constant 100000 : i32
    %broadcast_in_dim3A_352 = vector.broadcast %jit3A_351 : i32 to vector<16xi32>
    %select_n3A_353 = arith.select %eq3A_346, %add3A_350, %broadcast_in_dim3A_352 : vector<16xi1>, vector<16xi32>
    %add3A_354 = arith.constant 288 : i32
    %add3A_355 = arith.addi %mul3A_120, %add3A_354 : i32
    %get3A_356 = arith.index_cast %add3A_355 : i32 to index
    %get3A_357 = tpu.vector_load %arg5[%get3A_356] {strides = array<i32>} : memref<100000xf32, #tpu.memory_space<vmem>>, vector<16xf32>,
    %get3A_358 = vector.shape_cast %get3A_357 : vector<16xf32> to vector<16xf32>
    %eq3A_359 = arith.cmpf oeq, %get3A_358, %max3A_61 : vector<16xf32>
    %add3A_360 = arith.constant 288 : i32
    %add3A_361 = arith.addi %mul3A_120, %add3A_360 : i32
    %add3A_362 = vector.broadcast %add3A_361 : i32 to vector<16xi32>
    %add3A_363 = arith.addi %add3A_362, %iota3A : vector<16xi32>
    %jit3A_364 = arith.constant 100000 : i32
    %broadcast_in_dim3A_365 = vector.broadcast %jit3A_364 : i32 to vector<16xi32>
    %select_n3A_366 = arith.select %eq3A_359, %add3A_363, %broadcast_in_dim3A_365 : vector<16xi1>, vector<16xi32>
    %add3A_367 = arith.constant 304 : i32
    %add3A_368 = arith.addi %mul3A_120, %add3A_367 : i32
    %get3A_369 = arith.index_cast %add3A_368 : i32 to index
    %get3A_370 = tpu.vector_load %arg5[%get3A_369] {strides = array<i32>} : memref<100000xf32, #tpu.memory_space<vmem>>, vector<16xf32>,
    %get3A_371 = vector.shape_cast %get3A_370 : vector<16xf32> to vector<16xf32>
    %eq3A_372 = arith.cmpf oeq, %get3A_371, %max3A_61 : vector<16xf32>
    %add3A_373 = arith.constant 304 : i32
    %add3A_374 = arith.addi %mul3A_120, %add3A_373 : i32
    %add3A_375 = vector.broadcast %add3A_374 : i32 to vector<16xi32>
    %add3A_376 = arith.addi %add3A_375, %iota3A : vector<16xi32>
    %jit3A_377 = arith.constant 100000 : i32
    %broadcast_in_dim3A_378 = vector.broadcast %jit3A_377 : i32 to vector<16xi32>
    %select_n3A_379 = arith.select %eq3A_372, %add3A_376, %broadcast_in_dim3A_378 : vector<16xi1>, vector<16xi32>
    %add3A_380 = arith.constant 320 : i32
    %add3A_381 = arith.addi %mul3A_120, %add3A_380 : i32
    %get3A_382 = arith.index_cast %add3A_381 : i32 to index
    %get3A_383 = tpu.vector_load %arg5[%get3A_382] {strides = array<i32>} : memref<100000xf32, #tpu.memory_space<vmem>>, vector<16xf32>,
    %get3A_384 = vector.shape_cast %get3A_383 : vector<16xf32> to vector<16xf32>
    %eq3A_385 = arith.cmpf oeq, %get3A_384, %max3A_61 : vector<16xf32>
    %add3A_386 = arith.constant 320 : i32
    %add3A_387 = arith.addi %mul3A_120, %add3A_386 : i32
    %add3A_388 = vector.broadcast %add3A_387 : i32 to vector<16xi32>
    %add3A_389 = arith.addi %add3A_388, %iota3A : vector<16xi32>
    %jit3A_390 = arith.constant 100000 : i32
    %broadcast_in_dim3A_391 = vector.broadcast %jit3A_390 : i32 to vector<16xi32>
    %select_n3A_392 = arith.select %eq3A_385, %add3A_389, %broadcast_in_dim3A_391 : vector<16xi1>, vector<16xi32>
    %add3A_393 = arith.constant 336 : i32
    %add3A_394 = arith.addi %mul3A_120, %add3A_393 : i32
    %get3A_395 = arith.index_cast %add3A_394 : i32 to index
    %get3A_396 = tpu.vector_load %arg5[%get3A_395] {strides = array<i32>} : memref<100000xf32, #tpu.memory_space<vmem>>, vector<16xf32>,
    %get3A_397 = vector.shape_cast %get3A_396 : vector<16xf32> to vector<16xf32>
    %eq3A_398 = arith.cmpf oeq, %get3A_397, %max3A_61 : vector<16xf32>
    %add3A_399 = arith.constant 336 : i32
    %add3A_400 = arith.addi %mul3A_120, %add3A_399 : i32
    %add3A_401 = vector.broadcast %add3A_400 : i32 to vector<16xi32>
    %add3A_402 = arith.addi %add3A_401, %iota3A : vector<16xi32>
    %jit3A_403 = arith.constant 100000 : i32
    %broadcast_in_dim3A_404 = vector.broadcast %jit3A_403 : i32 to vector<16xi32>
    %select_n3A_405 = arith.select %eq3A_398, %add3A_402, %broadcast_in_dim3A_404 : vector<16xi1>, vector<16xi32>
    %add3A_406 = arith.constant 352 : i32
    %add3A_407 = arith.addi %mul3A_120, %add3A_406 : i32
    %get3A_408 = arith.index_cast %add3A_407 : i32 to index
    %get3A_409 = tpu.vector_load %arg5[%get3A_408] {strides = array<i32>} : memref<100000xf32, #tpu.memory_space<vmem>>, vector<16xf32>,
    %get3A_410 = vector.shape_cast %get3A_409 : vector<16xf32> to vector<16xf32>
    %eq3A_411 = arith.cmpf oeq, %get3A_410, %max3A_61 : vector<16xf32>
    %add3A_412 = arith.constant 352 : i32
    %add3A_413 = arith.addi %mul3A_120, %add3A_412 : i32
    %add3A_414 = vector.broadcast %add3A_413 : i32 to vector<16xi32>
    %add3A_415 = arith.addi %add3A_414, %iota3A : vector<16xi32>
    %jit3A_416 = arith.constant 100000 : i32
    %broadcast_in_dim3A_417 = vector.broadcast %jit3A_416 : i32 to vector<16xi32>
    %select_n3A_418 = arith.select %eq3A_411, %add3A_415, %broadcast_in_dim3A_417 : vector<16xi1>, vector<16xi32>
    %add3A_419 = arith.constant 368 : i32
    %add3A_420 = arith.addi %mul3A_120, %add3A_419 : i32
    %get3A_421 = arith.index_cast %add3A_420 : i32 to index
    %get3A_422 = tpu.vector_load %arg5[%get3A_421] {strides = array<i32>} : memref<100000xf32, #tpu.memory_space<vmem>>, vector<16xf32>,
    %get3A_423 = vector.shape_cast %get3A_422 : vector<16xf32> to vector<16xf32>
    %eq3A_424 = arith.cmpf oeq, %get3A_423, %max3A_61 : vector<16xf32>
    %add3A_425 = arith.constant 368 : i32
    %add3A_426 = arith.addi %mul3A_120, %add3A_425 : i32
    %add3A_427 = vector.broadcast %add3A_426 : i32 to vector<16xi32>
    %add3A_428 = arith.addi %add3A_427, %iota3A : vector<16xi32>
    %jit3A_429 = arith.constant 100000 : i32
    %broadcast_in_dim3A_430 = vector.broadcast %jit3A_429 : i32 to vector<16xi32>
    %select_n3A_431 = arith.select %eq3A_424, %add3A_428, %broadcast_in_dim3A_430 : vector<16xi1>, vector<16xi32>
    %add3A_432 = arith.constant 384 : i32
    %add3A_433 = arith.addi %mul3A_120, %add3A_432 : i32
    %get3A_434 = arith.index_cast %add3A_433 : i32 to index
    %get3A_435 = tpu.vector_load %arg5[%get3A_434] {strides = array<i32>} : memref<100000xf32, #tpu.memory_space<vmem>>, vector<16xf32>,
    %get3A_436 = vector.shape_cast %get3A_435 : vector<16xf32> to vector<16xf32>
    %eq3A_437 = arith.cmpf oeq, %get3A_436, %max3A_61 : vector<16xf32>
    %add3A_438 = arith.constant 384 : i32
    %add3A_439 = arith.addi %mul3A_120, %add3A_438 : i32
    %add3A_440 = vector.broadcast %add3A_439 : i32 to vector<16xi32>
    %add3A_441 = arith.addi %add3A_440, %iota3A : vector<16xi32>
    %jit3A_442 = arith.constant 100000 : i32
    %broadcast_in_dim3A_443 = vector.broadcast %jit3A_442 : i32 to vector<16xi32>
    %select_n3A_444 = arith.select %eq3A_437, %add3A_441, %broadcast_in_dim3A_443 : vector<16xi1>, vector<16xi32>
    %min3A_445 = arith.minsi %select_n3A_132, %select_n3A_145 : vector<16xi32>
    %min3A_446 = arith.minsi %select_n3A_158, %select_n3A_171 : vector<16xi32>
    %min3A_447 = arith.minsi %select_n3A_184, %select_n3A_197 : vector<16xi32>
    %min3A_448 = arith.minsi %select_n3A_210, %select_n3A_223 : vector<16xi32>
    %min3A_449 = arith.minsi %select_n3A_236, %select_n3A_249 : vector<16xi32>
    %min3A_450 = arith.minsi %select_n3A_262, %select_n3A_275 : vector<16xi32>
    %min3A_451 = arith.minsi %select_n3A_288, %select_n3A_301 : vector<16xi32>
    %min3A_452 = arith.minsi %select_n3A_314, %select_n3A_327 : vector<16xi32>
    %min3A_453 = arith.minsi %select_n3A_340, %select_n3A_353 : vector<16xi32>
    %min3A_454 = arith.minsi %select_n3A_366, %select_n3A_379 : vector<16xi32>
    %min3A_455 = arith.minsi %select_n3A_392, %select_n3A_405 : vector<16xi32>
    %min3A_456 = arith.minsi %select_n3A_418, %select_n3A_431 : vector<16xi32>
    %min3A_457 = arith.minsi %min3A_445, %min3A_446 : vector<16xi32>
    %min3A_458 = arith.minsi %min3A_447, %min3A_448 : vector<16xi32>
    %min3A_459 = arith.minsi %min3A_449, %min3A_450 : vector<16xi32>
    %min3A_460 = arith.minsi %min3A_451, %min3A_452 : vector<16xi32>
    %min3A_461 = arith.minsi %min3A_453, %min3A_454 : vector<16xi32>
    %min3A_462 = arith.minsi %min3A_455, %min3A_456 : vector<16xi32>
    %min3A_463 = arith.minsi %min3A_457, %min3A_458 : vector<16xi32>
    %min3A_464 = arith.minsi %min3A_459, %min3A_460 : vector<16xi32>
    %min3A_465 = arith.minsi %min3A_461, %min3A_462 : vector<16xi32>
    %min3A_466 = arith.minsi %min3A_463, %min3A_464 : vector<16xi32>
    %min3A_467 = arith.minsi %min3A_465, %select_n3A_444 : vector<16xi32>
    %min3A_468 = arith.minsi %min3A_466, %min3A_467 : vector<16xi32>
    %xor3A_469 = arith.constant 1 : i32
    %xor3A_470 = vector.broadcast %xor3A_469 : i32 to vector<16xi32>
    %xor3A_471 = arith.xori %iota3A, %xor3A_470 : vector<16xi32>
    %lt3A_472 = arith.constant 0 : i32
    %lt3A_473 = vector.broadcast %lt3A_472 : i32 to vector<16xi32>
    %lt3A_474 = arith.cmpi slt, %xor3A_471, %lt3A_473 : vector<16xi32>
    %add3A_475 = arith.constant 16 : i32
    %add3A_476 = vector.broadcast %add3A_475 : i32 to vector<16xi32>
    %add3A_477 = arith.addi %xor3A_471, %add3A_476 : vector<16xi32>
    %select_n3A_478 = arith.select %lt3A_474, %add3A_477, %xor3A_471 : vector<16xi1>, vector<16xi32>
    %broadcast_in_dim3A_479 = vector.shape_cast %select_n3A_478 : vector<16xi32> to vector<16x1xi32>
    %gather3A_480 = vector.shape_cast %broadcast_in_dim3A_479 : vector<16x1xi32> to vector<16xi32>
    %gather3A_481 = tpu.dynamic_gather %min3A_468[%gather3A_480] in [0] : vector<16xi32>, vector<16xi32> -> vector<16xi32>
    %min3A_482 = arith.minsi %min3A_468, %gather3A_481 : vector<16xi32>
    %xor3A_483 = arith.constant 2 : i32
    %xor3A_484 = vector.broadcast %xor3A_483 : i32 to vector<16xi32>
    %xor3A_485 = arith.xori %iota3A, %xor3A_484 : vector<16xi32>
    %lt3A_486 = arith.constant 0 : i32
    %lt3A_487 = vector.broadcast %lt3A_486 : i32 to vector<16xi32>
    %lt3A_488 = arith.cmpi slt, %xor3A_485, %lt3A_487 : vector<16xi32>
    %add3A_489 = arith.constant 16 : i32
    %add3A_490 = vector.broadcast %add3A_489 : i32 to vector<16xi32>
    %add3A_491 = arith.addi %xor3A_485, %add3A_490 : vector<16xi32>
    %select_n3A_492 = arith.select %lt3A_488, %add3A_491, %xor3A_485 : vector<16xi1>, vector<16xi32>
    %broadcast_in_dim3A_493 = vector.shape_cast %select_n3A_492 : vector<16xi32> to vector<16x1xi32>
    %gather3A_494 = vector.shape_cast %broadcast_in_dim3A_493 : vector<16x1xi32> to vector<16xi32>
    %gather3A_495 = tpu.dynamic_gather %min3A_482[%gather3A_494] in [0] : vector<16xi32>, vector<16xi32> -> vector<16xi32>
    %min3A_496 = arith.minsi %min3A_482, %gather3A_495 : vector<16xi32>
    %xor3A_497 = arith.constant 4 : i32
    %xor3A_498 = vector.broadcast %xor3A_497 : i32 to vector<16xi32>
    %xor3A_499 = arith.xori %iota3A, %xor3A_498 : vector<16xi32>
    %lt3A_500 = arith.constant 0 : i32
    %lt3A_501 = vector.broadcast %lt3A_500 : i32 to vector<16xi32>
    %lt3A_502 = arith.cmpi slt, %xor3A_499, %lt3A_501 : vector<16xi32>
    %add3A_503 = arith.constant 16 : i32
    %add3A_504 = vector.broadcast %add3A_503 : i32 to vector<16xi32>
    %add3A_505 = arith.addi %xor3A_499, %add3A_504 : vector<16xi32>
    %select_n3A_506 = arith.select %lt3A_502, %add3A_505, %xor3A_499 : vector<16xi1>, vector<16xi32>
    %broadcast_in_dim3A_507 = vector.shape_cast %select_n3A_506 : vector<16xi32> to vector<16x1xi32>
    %gather3A_508 = vector.shape_cast %broadcast_in_dim3A_507 : vector<16x1xi32> to vector<16xi32>
    %gather3A_509 = tpu.dynamic_gather %min3A_496[%gather3A_508] in [0] : vector<16xi32>, vector<16xi32> -> vector<16xi32>
    %min3A_510 = arith.minsi %min3A_496, %gather3A_509 : vector<16xi32>
    %xor3A_511 = arith.constant 8 : i32
    %xor3A_512 = vector.broadcast %xor3A_511 : i32 to vector<16xi32>
    %xor3A_513 = arith.xori %iota3A, %xor3A_512 : vector<16xi32>
    %lt3A_514 = arith.constant 0 : i32
    %lt3A_515 = vector.broadcast %lt3A_514 : i32 to vector<16xi32>
    %lt3A_516 = arith.cmpi slt, %xor3A_513, %lt3A_515 : vector<16xi32>
    %add3A_517 = arith.constant 16 : i32
    %add3A_518 = vector.broadcast %add3A_517 : i32 to vector<16xi32>
    %add3A_519 = arith.addi %xor3A_513, %add3A_518 : vector<16xi32>
    %select_n3A_520 = arith.select %lt3A_516, %add3A_519, %xor3A_513 : vector<16xi1>, vector<16xi32>
    %broadcast_in_dim3A_521 = vector.shape_cast %select_n3A_520 : vector<16xi32> to vector<16x1xi32>
    %gather3A_522 = vector.shape_cast %broadcast_in_dim3A_521 : vector<16x1xi32> to vector<16xi32>
    %gather3A_523 = tpu.dynamic_gather %min3A_510[%gather3A_522] in [0] : vector<16xi32>, vector<16xi32> -> vector<16xi32>
    %min3A_524 = arith.minsi %min3A_510, %gather3A_523 : vector<16xi32>
    %exp3A = math.exp %max3A_61 : vector<16xf32>
    %xor3A_525 = arith.constant 1 : i32
    %xor3A_526 = vector.broadcast %xor3A_525 : i32 to vector<16xi32>
    %xor3A_527 = arith.xori %iota3A, %xor3A_526 : vector<16xi32>
    %lt3A_528 = arith.constant 0 : i32
    %lt3A_529 = vector.broadcast %lt3A_528 : i32 to vector<16xi32>
    %lt3A_530 = arith.cmpi slt, %xor3A_527, %lt3A_529 : vector<16xi32>
    %add3A_531 = arith.constant 16 : i32
    %add3A_532 = vector.broadcast %add3A_531 : i32 to vector<16xi32>
    %add3A_533 = arith.addi %xor3A_527, %add3A_532 : vector<16xi32>
    %select_n3A_534 = arith.select %lt3A_530, %add3A_533, %xor3A_527 : vector<16xi1>, vector<16xi32>
    %broadcast_in_dim3A_535 = vector.shape_cast %select_n3A_534 : vector<16xi32> to vector<16x1xi32>
    %gather3A_536 = vector.shape_cast %broadcast_in_dim3A_535 : vector<16x1xi32> to vector<16xi32>
    %gather3A_537 = tpu.dynamic_gather %scan3A_9#2[%gather3A_536] in [0] : vector<16xf32>, vector<16xi32> -> vector<16xf32>
    %add3A_538 = arith.addf %scan3A_9#2, %gather3A_537 : vector<16xf32>
    %xor3A_539 = arith.constant 2 : i32
    %xor3A_540 = vector.broadcast %xor3A_539 : i32 to vector<16xi32>
    %xor3A_541 = arith.xori %iota3A, %xor3A_540 : vector<16xi32>
    %lt3A_542 = arith.constant 0 : i32
    %lt3A_543 = vector.broadcast %lt3A_542 : i32 to vector<16xi32>
    %lt3A_544 = arith.cmpi slt, %xor3A_541, %lt3A_543 : vector<16xi32>
    %add3A_545 = arith.constant 16 : i32
    %add3A_546 = vector.broadcast %add3A_545 : i32 to vector<16xi32>
    %add3A_547 = arith.addi %xor3A_541, %add3A_546 : vector<16xi32>
    %select_n3A_548 = arith.select %lt3A_544, %add3A_547, %xor3A_541 : vector<16xi1>, vector<16xi32>
    %broadcast_in_dim3A_549 = vector.shape_cast %select_n3A_548 : vector<16xi32> to vector<16x1xi32>
    %gather3A_550 = vector.shape_cast %broadcast_in_dim3A_549 : vector<16x1xi32> to vector<16xi32>
    %gather3A_551 = tpu.dynamic_gather %add3A_538[%gather3A_550] in [0] : vector<16xf32>, vector<16xi32> -> vector<16xf32>
    %add3A_552 = arith.addf %add3A_538, %gather3A_551 : vector<16xf32>
    %xor3A_553 = arith.constant 4 : i32
    %xor3A_554 = vector.broadcast %xor3A_553 : i32 to vector<16xi32>
    %xor3A_555 = arith.xori %iota3A, %xor3A_554 : vector<16xi32>
    %lt3A_556 = arith.constant 0 : i32
    %lt3A_557 = vector.broadcast %lt3A_556 : i32 to vector<16xi32>
    %lt3A_558 = arith.cmpi slt, %xor3A_555, %lt3A_557 : vector<16xi32>
    %add3A_559 = arith.constant 16 : i32
    %add3A_560 = vector.broadcast %add3A_559 : i32 to vector<16xi32>
    %add3A_561 = arith.addi %xor3A_555, %add3A_560 : vector<16xi32>
    %select_n3A_562 = arith.select %lt3A_558, %add3A_561, %xor3A_555 : vector<16xi1>, vector<16xi32>
    %broadcast_in_dim3A_563 = vector.shape_cast %select_n3A_562 : vector<16xi32> to vector<16x1xi32>
    %gather3A_564 = vector.shape_cast %broadcast_in_dim3A_563 : vector<16x1xi32> to vector<16xi32>
    %gather3A_565 = tpu.dynamic_gather %add3A_552[%gather3A_564] in [0] : vector<16xf32>, vector<16xi32> -> vector<16xf32>
    %add3A_566 = arith.addf %add3A_552, %gather3A_565 : vector<16xf32>
    %xor3A_567 = arith.constant 8 : i32
    %xor3A_568 = vector.broadcast %xor3A_567 : i32 to vector<16xi32>
    %xor3A_569 = arith.xori %iota3A, %xor3A_568 : vector<16xi32>
    %lt3A_570 = arith.constant 0 : i32
    %lt3A_571 = vector.broadcast %lt3A_570 : i32 to vector<16xi32>
    %lt3A_572 = arith.cmpi slt, %xor3A_569, %lt3A_571 : vector<16xi32>
    %add3A_573 = arith.constant 16 : i32
    %add3A_574 = vector.broadcast %add3A_573 : i32 to vector<16xi32>
    %add3A_575 = arith.addi %xor3A_569, %add3A_574 : vector<16xi32>
    %select_n3A_576 = arith.select %lt3A_572, %add3A_575, %xor3A_569 : vector<16xi1>, vector<16xi32>
    %broadcast_in_dim3A_577 = vector.shape_cast %select_n3A_576 : vector<16xi32> to vector<16x1xi32>
    %gather3A_578 = vector.shape_cast %broadcast_in_dim3A_577 : vector<16x1xi32> to vector<16xi32>
    %gather3A_579 = tpu.dynamic_gather %add3A_566[%gather3A_578] in [0] : vector<16xf32>, vector<16xi32> -> vector<16xf32>
    %add3A_580 = arith.addf %add3A_566, %gather3A_579 : vector<16xf32>
    %div3A = arith.divf %exp3A, %add3A_580 : vector<16xf32>
    %swap3A = arith.constant 0 : index
    %swap3A_581 = tpu.vector_load %arg6[%swap3A] {strides = array<i32>} : memref<16xf32, #tpu.memory_space<vmem>>, vector<16xf32>,
    %swap3A_582 = vector.shape_cast %swap3A_581 : vector<16xf32> to vector<16xf32>
    %swap3A_583 = vector.shape_cast %div3A : vector<16xf32> to vector<16xf32>
    tpu.vector_store %arg6[%swap3A], %swap3A_583 {strides = array<i32>} : memref<16xf32, #tpu.memory_space<vmem>>, vector<16xf32>,
    %swap3A_584 = arith.constant 0 : index
    %swap3A_585 = tpu.vector_load %arg7[%swap3A_584] {strides = array<i32>} : memref<16xi32, #tpu.memory_space<vmem>>, vector<16xi32>,
    %swap3A_586 = vector.shape_cast %swap3A_585 : vector<16xi32> to vector<16xi32>
    %swap3A_587 = vector.shape_cast %min3A_524 : vector<16xi32> to vector<16xi32>
    tpu.vector_store %arg7[%swap3A_584], %swap3A_587 {strides = array<i32>} : memref<16xi32, #tpu.memory_space<vmem>>, vector<16xi32>,
    %dma_start3A = arith.constant 0 : i32
    %dma_start3A_588 = tpu.memref_slice %arg3[%add3A, %dma_start3A] : memref<32x16xf32, #tpu.memory_space<hbm>> -> memref<1x16xf32, #tpu.memory_space<hbm>>
    %dma_start3A_589 = tpu.memref_squeeze %dma_start3A_588 : memref<1x16xf32, #tpu.memory_space<hbm>> -> memref<16xf32, #tpu.memory_space<hbm>>
    %dma_start3A_590 = arith.constant 0 : i32
    %dma_start3A_591 = tpu.memref_slice %arg3[%add3A, %dma_start3A_590] : memref<32x16xf32, #tpu.memory_space<hbm>> -> memref<1x16xf32, #tpu.memory_space<hbm>>
    %dma_start3A_592 = tpu.memref_squeeze %dma_start3A_591 : memref<1x16xf32, #tpu.memory_space<hbm>> -> memref<16xf32, #tpu.memory_space<hbm>>
    tpu.enqueue_dma source(%arg6 : memref<16xf32, #tpu.memory_space<vmem>>) target(%dma_start3A_592 : memref<16xf32, #tpu.memory_space<hbm>>) target_semaphore(%arg8 : memref<!tpu.dma_semaphore, #tpu.memory_space<semaphore_mem>>)
    %dma_start3A_593 = arith.constant 0 : i32
    %dma_start3A_594 = tpu.memref_slice %arg4[%add3A, %dma_start3A_593] : memref<32x16xi32, #tpu.memory_space<hbm>> -> memref<1x16xi32, #tpu.memory_space<hbm>>
    %dma_start3A_595 = tpu.memref_squeeze %dma_start3A_594 : memref<1x16xi32, #tpu.memory_space<hbm>> -> memref<16xi32, #tpu.memory_space<hbm>>
    %dma_start3A_596 = arith.constant 0 : i32
    %dma_start3A_597 = tpu.memref_slice %arg4[%add3A, %dma_start3A_596] : memref<32x16xi32, #tpu.memory_space<hbm>> -> memref<1x16xi32, #tpu.memory_space<hbm>>
    %dma_start3A_598 = tpu.memref_squeeze %dma_start3A_597 : memref<1x16xi32, #tpu.memory_space<hbm>> -> memref<16xi32, #tpu.memory_space<hbm>>
    tpu.enqueue_dma source(%arg7 : memref<16xi32, #tpu.memory_space<vmem>>) target(%dma_start3A_598 : memref<16xi32, #tpu.memory_space<hbm>>) target_semaphore(%arg9 : memref<!tpu.dma_semaphore, #tpu.memory_space<semaphore_mem>>)
    %dma_wait3A = arith.constant 0 : i32
    %dma_wait3A_599 = tpu.memref_slice %arg3[%add3A, %dma_wait3A] : memref<32x16xf32, #tpu.memory_space<hbm>> -> memref<1x16xf32, #tpu.memory_space<hbm>>
    %dma_wait3A_600 = tpu.memref_squeeze %dma_wait3A_599 : memref<1x16xf32, #tpu.memory_space<hbm>> -> memref<16xf32, #tpu.memory_space<hbm>>
    %dma_wait3A_601 = arith.constant 0 : i32
    %dma_wait3A_602 = tpu.memref_slice %arg3[%add3A, %dma_wait3A_601] : memref<32x16xf32, #tpu.memory_space<hbm>> -> memref<1x16xf32, #tpu.memory_space<hbm>>
    %dma_wait3A_603 = tpu.memref_squeeze %dma_wait3A_602 : memref<1x16xf32, #tpu.memory_space<hbm>> -> memref<16xf32, #tpu.memory_space<hbm>>
    tpu.wait_dma2 semaphore(%arg8 : memref<!tpu.dma_semaphore, #tpu.memory_space<semaphore_mem>>) src(%arg6 : memref<16xf32, #tpu.memory_space<vmem>>) dst(%dma_wait3A_603 : memref<16xf32, #tpu.memory_space<hbm>>)
    %dma_wait3A_604 = arith.constant 0 : i32
    %dma_wait3A_605 = tpu.memref_slice %arg4[%add3A, %dma_wait3A_604] : memref<32x16xi32, #tpu.memory_space<hbm>> -> memref<1x16xi32, #tpu.memory_space<hbm>>
    %dma_wait3A_606 = tpu.memref_squeeze %dma_wait3A_605 : memref<1x16xi32, #tpu.memory_space<hbm>> -> memref<16xi32, #tpu.memory_space<hbm>>
    %dma_wait3A_607 = arith.constant 0 : i32
    %dma_wait3A_608 = tpu.memref_slice %arg4[%add3A, %dma_wait3A_607] : memref<32x16xi32, #tpu.memory_space<hbm>> -> memref<1x16xi32, #tpu.memory_space<hbm>>
    %dma_wait3A_609 = tpu.memref_squeeze %dma_wait3A_608 : memref<1x16xi32, #tpu.memory_space<hbm>> -> memref<16xi32, #tpu.memory_space<hbm>>
    tpu.wait_dma2 semaphore(%arg9 : memref<!tpu.dma_semaphore, #tpu.memory_space<semaphore_mem>>) src(%arg7 : memref<16xi32, #tpu.memory_space<vmem>>) dst(%dma_wait3A_609 : memref<16xi32, #tpu.memory_space<hbm>>)
    return
  }
}

module attributes {stable_mosaic.version = 14 : i64} {
  func.func @body(%arg0: memref<32x16xf32, #tpu.memory_space<vmem>>, %arg1: memref<32x16xi32, #tpu.memory_space<vmem>>, %arg2: memref<8xf32, #tpu.memory_space<vmem>>, %arg3: memref<8xf32, #tpu.memory_space<vmem>>, %arg4: memref<8x2xi32, #tpu.memory_space<vmem>>, %arg5: memref<8xi32, #tpu.memory_space<vmem>>) attributes {dimension_semantics = [], scalar_prefetch = 0 : i64, scratch_operands = 0 : i64, tpu.core_type = #tpu.core_type<tc>} {
    %get3A = arith.constant 0 : index
    %get3A_0 = arith.constant 0 : index
    %get3A_1 = vector.load %arg0[%get3A, %get3A_0] : memref<32x16xf32, #tpu.memory_space<vmem>>, vector<32x16xf32>
    %get3A_2 = arith.constant 0 : index
    %get3A_3 = arith.constant 0 : index
    %get3A_4 = vector.load %arg1[%get3A_2, %get3A_3] : memref<32x16xi32, #tpu.memory_space<vmem>>, vector<32x16xi32>
    %reduce_max3A = vector.shape_cast %get3A_1 : vector<32x16xf32> to vector<1x32x16xf32>
    %reduce_max3A_5 = arith.constant dense<0xFF800000> : vector<1xf32>
    %reduce_max3A_6 = vector.multi_reduction <maximumf>, %reduce_max3A, %reduce_max3A_5 [1, 2] : vector<1x32x16xf32> to vector<1xf32>
    %reduce_max3A_7 = vector.shape_cast %reduce_max3A_6 : vector<1xf32> to vector<1x1x1xf32>
    %reduce_max3A_8 = vector.extract %reduce_max3A_7[0, 0, 0] : f32 from vector<1x1x1xf32>
    %iota3A = tpu.iota {dimensions = array<i32: 0>} : vector<32x16xi32>
    %eq3A = vector.broadcast %reduce_max3A_8 : f32 to vector<32x16xf32>
    %eq3A_9 = arith.cmpf oeq, %get3A_1, %eq3A : vector<32x16xf32>
    %jit3A = arith.constant 32 : i32
    %broadcast_in_dim3A = vector.broadcast %jit3A : i32 to vector<32x16xi32>
    %select_n3A = arith.select %eq3A_9, %iota3A, %broadcast_in_dim3A : vector<32x16xi1>, vector<32x16xi32>
    %reduce_min3A = vector.shape_cast %select_n3A : vector<32x16xi32> to vector<1x32x16xi32>
    %reduce_min3A_10 = arith.constant dense<2147483647> : vector<1xi32>
    %reduce_min3A_11 = vector.multi_reduction <minsi>, %reduce_min3A, %reduce_min3A_10 [1, 2] : vector<1x32x16xi32> to vector<1xi32>
    %reduce_min3A_12 = vector.shape_cast %reduce_min3A_11 : vector<1xi32> to vector<1x1x1xi32>
    %reduce_min3A_13 = vector.extract %reduce_min3A_12[0, 0, 0] : i32 from vector<1x1x1xi32>
    %eq3A_14 = vector.broadcast %reduce_min3A_13 : i32 to vector<32x16xi32>
    %eq3A_15 = arith.cmpi eq, %iota3A, %eq3A_14 : vector<32x16xi32>
    %jit3A_16 = arith.constant 2147483647 : i32
    %broadcast_in_dim3A_17 = vector.broadcast %jit3A_16 : i32 to vector<32x16xi32>
    %select_n3A_18 = arith.select %eq3A_15, %get3A_4, %broadcast_in_dim3A_17 : vector<32x16xi1>, vector<32x16xi32>
    %reduce_min3A_19 = vector.shape_cast %select_n3A_18 : vector<32x16xi32> to vector<1x32x16xi32>
    %reduce_min3A_20 = arith.constant dense<2147483647> : vector<1xi32>
    %reduce_min3A_21 = vector.multi_reduction <minsi>, %reduce_min3A_19, %reduce_min3A_20 [1, 2] : vector<1x32x16xi32> to vector<1xi32>
    %reduce_min3A_22 = vector.shape_cast %reduce_min3A_21 : vector<1xi32> to vector<1x1x1xi32>
    %reduce_min3A_23 = vector.extract %reduce_min3A_22[0, 0, 0] : i32 from vector<1x1x1xi32>
    %eq3A_24 = arith.constant 1 : i32
    %eq3A_25 = arith.cmpi eq, %reduce_min3A_23, %eq3A_24 : i32
    %jit3A_26 = arith.constant -1 : i32
    %select_n3A_27 = arith.select %eq3A_25, %jit3A_26, %reduce_min3A_23 : i32
    %broadcast_in_dim3A_28 = vector.broadcast %reduce_max3A_8 : f32 to vector<8xf32>
    %swap3A = arith.constant 0 : index
    %swap3A_29 = vector.load %arg2[%swap3A] : memref<8xf32, #tpu.memory_space<vmem>>, vector<8xf32>
    tpu.vector_store %arg2[%swap3A], %broadcast_in_dim3A_28 {strides = array<i32>} : memref<8xf32, #tpu.memory_space<vmem>>, vector<8xf32>,
    %log3A = math.log %reduce_max3A_8 : f32
    %broadcast_in_dim3A_30 = vector.broadcast %log3A : f32 to vector<8xf32>
    %swap3A_31 = arith.constant 0 : index
    %swap3A_32 = vector.load %arg3[%swap3A_31] : memref<8xf32, #tpu.memory_space<vmem>>, vector<8xf32>
    tpu.vector_store %arg3[%swap3A_31], %broadcast_in_dim3A_30 {strides = array<i32>} : memref<8xf32, #tpu.memory_space<vmem>>, vector<8xf32>,
    %mul3A = arith.constant 8 : i32
    %mul3A_33 = arith.muli %mul3A, %reduce_min3A_13 : i32
    %iota3A_34 = tpu.iota {dimensions = array<i32: 1>} : vector<1x8xi32>
    %iota3A_35 = vector.shape_cast %iota3A_34 : vector<1x8xi32> to vector<8xi32>
    %add3A = vector.broadcast %mul3A_33 : i32 to vector<8xi32>
    %add3A_36 = arith.addi %add3A, %iota3A_35 : vector<8xi32>
    %swap3A_37 = arith.constant 0 : index
    %swap3A_38 = vector.load %arg5[%swap3A_37] : memref<8xi32, #tpu.memory_space<vmem>>, vector<8xi32>
    tpu.vector_store %arg5[%swap3A_37], %add3A_36 {strides = array<i32>} : memref<8xi32, #tpu.memory_space<vmem>>, vector<8xi32>,
    %iota3A_39 = tpu.iota {dimensions = array<i32: 1>} : vector<8x2xi32>
    %eq3A_40 = arith.constant 0 : i32
    %eq3A_41 = vector.broadcast %eq3A_40 : i32 to vector<8x2xi32>
    %eq3A_42 = arith.cmpi eq, %iota3A_39, %eq3A_41 : vector<8x2xi32>
    %jit3A_43 = arith.constant 0 : i32
    %broadcast_in_dim3A_44 = vector.broadcast %jit3A_43 : i32 to vector<8x2xi32>
    %broadcast_in_dim3A_45 = vector.broadcast %select_n3A_27 : i32 to vector<8x2xi32>
    %select_n3A_46 = arith.select %eq3A_42, %broadcast_in_dim3A_44, %broadcast_in_dim3A_45 : vector<8x2xi1>, vector<8x2xi32>
    %swap3A_47 = arith.constant 0 : index
    %swap3A_48 = arith.constant 0 : index
    %swap3A_49 = vector.load %arg4[%swap3A_47, %swap3A_48] : memref<8x2xi32, #tpu.memory_space<vmem>>, vector<8x2xi32>
    tpu.vector_store %arg4[%swap3A_47, %swap3A_48], %select_n3A_46 {strides = array<i32>} : memref<8x2xi32, #tpu.memory_space<vmem>>, vector<8x2xi32>,
    return
  }
}

</mosaic_0001>

<sc_bundles>
// kernel: kernel.4.cloned.1.call-start
scs
__scs_entry_jumppad:
0x0: {  	(pc) =	sbr.rel $0x88, $3  }
0x1: {  	(tag) =	ssettag $0x0;
	lr =	simm.s32 $0x1  }
0x2: {  	[smem:$0x3FA0] =	sst lr;
	_ =	strace $0xD0000000  }
0x3: {  	_ = 	snop  }
0x4: {  	_ = 	snop  }
0x5: {  	_ = 	snop  }
0x6: {  	_ = 	snop  }
0x7: {  	_ = 	snop  }
__scs_overlays_trampoline_lowered:
0x8: {  	[smem:$0x3FAF] =	sst s0  }
0x9: {  	[smem:$0x3FB0] =	sst s1  }
0xa: {  	[smem:$0x3FB1] =	sst s2  }
0xb: {  	[smem:$0x3FB2] =	sst s3  }
0xc: {  	[smem:$0x3FB3] =	sst s4  }
0xd: {  	[smem:$0x3FB4] =	sst s5  }
0xe: {  	[smem:$0x3FB5] =	sst s6  }
0xf: {  	[smem:$0x3FB6] =	sst s7  }
0x10: {  	[smem:$0x3FB7] =	sst s8  }
0x11: {  	[smem:$0x3FB8] =	sst s9;
	s0 =	simm.s32 @!p0 $0x0  }
0x12: {  	s1 =	sld [smem:$0x3F9E];
	s0 =	simm.s32 @p0 $0x1  }
0x13: {  	[smem:$0x3FB9] =	sst s0;
	s0 =	simm.s32 @!p1 $0x0  }
0x14: {  	s2 =	sld [smem:$0x3F9D];
	s0 =	simm.s32 @p1 $0x1  }
0x15: {  	[smem:$0x3FBA] =	sst s0;
	s0 =	simm.s32 @!p2 $0x0  }
0x16: {  	s3 =	sld [smem:$0x3FDB];
	s0 =	simm.s32 @p2 $0x1  }
0x17: {  	s4 =	simm.s32 $0x1BF5;
	[smem:$0x3FBC] =	sst s0  }
0x18: {  	s0 =	sld [smem:$0x3F9F];
	_ =	swait.ge [sflag:s4], $0x0  }
0x19: {  	s7 =	sld [smem:$0x3FA0]  }
0x1a: {  	s8 =	sadd.s32 $0xFFFFE003, lr  }
0x1b: {  	s9 =	sadd.s32 $0xFFFFFEF7, lr;
	s5 =	simm.s32 $0xFFFFFFFF;
	p2 =	slt.u32 s8, $0xFFFFF086  }
0x1c: {  	p1 =	slt.u32 s9, $0xF7A;
	s5 =	simm.s32 @!p2 $0x0  }
0x1d: {  	s5 =	simm.s32 @p1 $0x1;
	p0 =	seq.s32 s7, s2  }
0x1e: {  	s7 =	smul.u32 @!p0 $0xF7A, s2;
	p2 =	seq.s32 @!p0 s5, $0x0  }
0x1f: {  	s9 =	smul.u32 $0xF7A, s1;
	s8 =	simm.s32 @!p0 $0x1BF5;
	p2 =	por !p2, p0  }
0x20: {  	[sflag:s8] =	ssyncset.s32 @!p0 $0xFFFFF086;
	s6 =	sadd.s32 @!p0 s3, s7;
	s7 =	simm.s32 @!p0 $0x108  }
0x21: {  	s3 =	sadd.s32 s3, s9;
	s6 =	sadd.s32 @!p0 $0x88, s6;
	s7 =	simm.s32 @p2 $0x1082  }
0x22: {  	[simem:s7], [sflag:s8] =	dma.local @!p0 [hbm:s6], $0xF7A  }
0x23: {  	s9 =	sor.u32 $0xD0000000, s2;
	s6 =	simm.s32 $0x108;
	_ =	swait.ge @!p0 [sflag:s8], $0x0  }
0x24: {  	s3 =	sadd.s32 $0x88, s3;
	s6 =	simm.s32 @!p1 $0x1082;
	[sflag:s4] =	ssyncset.s32 $0xFFFFF086  }
0x25: {  	[simem:s6], [sflag:s4] =	dma.local [hbm:s3], $0xF7A  }
0x26: {  	[smem:$0x3FA0] =	sst s1;
	(tag) =	ssettag s2;
	_ =	strace s9  }
0x27: {  	s1 =	sld [smem:$0x3FB0]  }
0x28: {  	s2 =	sld [smem:$0x3FB1]  }
0x29: {  	s4 =	sld [smem:$0x3FB3]  }
0x2a: {  	p0 =	seq.s32 s5, $0x0;
	s5 =	sld [smem:$0x3FB4]  }
0x2b: {  	s6 =	sld [smem:$0x3FB5]  }
0x2c: {  	s7 =	sld [smem:$0x3FB6]  }
0x2d: {  	s3 =	simm.s32 $0x108;
	s8 =	sld [smem:$0x3FB7]  }
0x2e: {  	s3 =	simm.s32 @!p0 $0x1082;
	s9 =	sld [smem:$0x3FB8]  }
0x2f: {  	lr =	sadd.s32 s0, s3;
	s0 =	sld [smem:$0x3FAF]  }
0x30: {  	s3 =	sld [smem:$0x3FB2]  }
0x31: {  	[smem:$0x3FBB] =	sst s10  }
0x32: {  	s10 =	sld [smem:$0x3FB9];
	_ =	sdelay $0x3  }
0x33: {  	p0 =	seq.s32 s10, $0x1;
	s10 =	sld [smem:$0x3FBB];
	_ =	sdelay $0x3  }
0x34: {  	[smem:$0x3FBB] =	sst s10  }
0x35: {  	s10 =	sld [smem:$0x3FBA];
	_ =	sdelay $0x3  }
0x36: {  	p1 =	seq.s32 s10, $0x1;
	s10 =	sld [smem:$0x3FBB];
	_ =	sdelay $0x3  }
0x37: {  	[smem:$0x3FBB] =	sst s10  }
0x38: {  	s10 =	sld [smem:$0x3FBC]  }
0x39: {  	_ = 	snop;
	(pc) =	sbr.ind lr, $3  }
0x3a: {  	_ = 	snop  }
0x3b: {  	_ = 	snop  }
0x3c: {  	p2 =	seq.s32 s10, $0x1;
	s10 =	sld [smem:$0x3FBB]  }
0x3d: {  	_ =	shalt  }
0x3e: {  	_ =	shalt  }
0x3f: {  	_ =	shalt  }
0x40: {  	_ =	shalt  }
0x41: {  	_ =	shalt  }
0x42: {  	_ =	shalt  }
0x43: {  	_ =	shalt  }
0x44: {  	_ =	shalt  }
0x45: {  	_ =	shalt  }
0x46: {  	_ =	shalt  }
0x47: {  	_ =	shalt  }
0x48: {  	_ =	shalt  }
0x49: {  	_ =	shalt  }
0x4a: {  	_ =	shalt  }
0x4b: {  	_ =	shalt  }
0x4c: {  	_ =	shalt  }
0x4d: {  	_ =	shalt  }
0x4e: {  	_ =	shalt  }
0x4f: {  	_ =	shalt  }
0x50: {  	_ =	shalt  }
0x51: {  	_ =	shalt  }
0x52: {  	_ =	shalt  }
0x53: {  	_ =	shalt  }
0x54: {  	_ =	shalt  }
0x55: {  	_ =	shalt  }
0x56: {  	_ =	shalt  }
0x57: {  	_ =	shalt  }
0x58: {  	_ =	shalt  }
0x59: {  	_ =	shalt  }
0x5a: {  	_ =	shalt  }
0x5b: {  	_ =	shalt  }
0x5c: {  	_ =	shalt  }
0x5d: {  	_ =	shalt  }
0x5e: {  	_ =	shalt  }
0x5f: {  	_ =	shalt  }
0x60: {  	_ =	shalt  }
0x61: {  	_ =	shalt  }
0x62: {  	_ =	shalt  }
0x63: {  	_ =	shalt  }
0x64: {  	_ =	shalt  }
0x65: {  	_ =	shalt  }
0x66: {  	_ =	shalt  }
0x67: {  	_ =	shalt  }
0x68: {  	_ =	shalt  }
0x69: {  	_ =	shalt  }
0x6a: {  	_ =	shalt  }
0x6b: {  	_ =	shalt  }
0x6c: {  	_ =	shalt  }
0x6d: {  	_ =	shalt  }
0x6e: {  	_ =	shalt  }
0x6f: {  	_ =	shalt  }
0x70: {  	_ =	shalt  }
0x71: {  	_ =	shalt  }
0x72: {  	_ =	shalt  }
0x73: {  	_ =	shalt  }
0x74: {  	_ =	shalt  }
0x75: {  	_ =	shalt  }
0x76: {  	_ =	shalt  }
0x77: {  	_ =	shalt  }
0x78: {  	_ =	shalt  }
0x79: {  	_ =	shalt  }
0x7a: {  	_ =	shalt  }
0x7b: {  	_ =	shalt  }
0x7c: {  	_ =	shalt  }
0x7d: {  	_ =	shalt  }
0x7e: {  	_ =	shalt  }
0x7f: {  	_ =	shalt  }
0x80: {  	_ =	shalt  }
0x81: {  	_ =	shalt  }
0x82: {  	_ =	shalt  }
0x83: {  	_ =	shalt  }
0x84: {  	_ =	shalt  }
0x85: {  	_ =	shalt  }
0x86: {  	_ =	shalt  }
0x87: {  	_ =	shalt  }
.Lfunc_end0:
.L_simem_size_0:
called_computation_lowered:
.L_overlay_start_0:
0x88: {  	s2 =	sld [smem:$0x3FD9]  }
0x89: {  	s3 =	sld [smem:$0x3FFE];
	_ =	sdelay $0x1  }
0x8a: {  	s1 =	srdreg.scid  }
0x8b: {  	s0 =	sand.u32 $0x1, s1  }
0x8c: {  	s17 =	sshll.u32 s0, $0xA;
	s2 =	sadd.s32 s3, s2  }
0x8d: {  	s2 =	sadd.s32 s2, s17  }
0x8e: {  	[smem:$0x3FC7] =	sst s2  }
0x8f: {  	_ = 	snop  }
0x90: {  	s2 =	sld [smem:$0x3FC9];
	(tm) =	ssettm $0x1  }
0x91: {  	s18 =	sld [smem:$0x3FFB];
	_ =	sdelay $0x3  }
0x92: {  	_ =	strace s18  }
0x93: {  	s3 =	sld [smem:$0x3FFC];
	_ =	sdelay $0x3  }
0x94: {  	_ =	strace s3  }
0x95: {  	s3 =	sld [smem:$0x3FFD];
	_ =	sdelay $0x3  }
0x96: {  	_ =	strace s3  }
0x97: {  	_ =	strace $0x8FFFFFFF  }
0x98: {  	s19 =	sld [smem:$0x3FDB];
	_ =	sdelay $0x1  }
0x99: {  	s4 =	simm.s32 $_scs_section_size  }
0x9a: {  	s5 =	simm.s32 $_size__tile_overlayer_lowered;
	s6 =	simm.s32 $_tile_overlayer_lowered  }
0x9b: {  	s22 =	simm.s32 $0x1BFF;
	s21 =	sshll.u32 s6, $0x1;
	s3 =	sadd.s32 s4, s19  }
0x9c: {  	s7 =	simm.s32 $0x0;
	s20 =	sshll.u32 s5, $0x1;
	s5 =	sadd.s32 s21, s3  }
0x9d: {  	[timem:s7], [sflag:s22] =	dma.local [hbm:s5], s20  }
0x9e: {  	_ =	swait.ge [sflag:s22], s20  }
0x9f: {  	s4 =	ssub.s32 $0x0, s20;
	[sflag:s22] =	ssyncset.done $0x0  }
0xa0: {  	[sflag:s22] =	ssyncadd.s32 s4;
	_ =	sdelay $0x1  }
0xa1: {  	s23 =	simm.s32 $0x1B8B  }
0xa2: {  	_ =	swait.ge [sflag:s23], $0x1  }
0xa3: {  	[sflag:s23] =	ssyncset.done $0x0  }
0xa4: {  	s25 =	simm.s32 $0x1B8E;
	s24 =	sld [smem:$0x3FFE];
	[sflag:s23] =	ssyncadd.s32 $0xFFFFFFFF  }
0xa5: {  	s26 =	simm.s32 $execute0_lowered;
	[smem:$0x3FD2] =	sst s25  }
0xa6: {  	s5 =	sshll.u32 s26, $0x1;
	_ =	strace $0x80000046;
	[dreg:$0x1] =	wrdreg $0xFFFFFFFF  }
0xa7: {  	s28 =	simm.s32 $_size_execute0_lowered;
	s3 =	sadd.s32 s3, s5;
	[dreg:$0x0] =	wrdreg $0x0  }
0xa8: {  	s5 =	sshll.u32 s28, $0x1;
	[dreg:$0x2] =	wrdreg s3  }
0xa9: {  	[dreg:$0x3] =	wrdreg s5  }
0xaa: {  	[dreg:$0x4] =	wrdreg $0xC0  }
0xab: {  	_ =	task [dreg:s7], $0x5FFFF  }
0xac: {  	[dreg:$0x1] =	wrdreg $0xFFFFFFFF  }
0xad: {  	[dreg:$0x0] =	wrdreg $0x60  }
0xae: {  	[dreg:$0x2] =	wrdreg s2  }
0xaf: {  	[dreg:$0x3] =	wrdreg s24  }
0xb0: {  	[dreg:$0x4] =	wrdreg $0x9  }
0xb1: {  	_ =	task.clear_ibuf [dreg:s7], $0x5FFFF;
	_ =	strace $0x90000046  }
0xb2: {  	s29 =	simm.s32 $0x9;
	_ =	strace $0x80000048  }
0xb3: {  	_ =	swait.ge [sflag:s29], $0x1  }
0xb4: {  	[sflag:s29] =	ssyncadd.s32 $0xFFFFFFFF  }
0xb5: {  	_ =	strace $0x90000048  }
0xb6: {  	_ =	sfence  }
0xb7: {  	s30 =	sld [smem:$0x0];
	_ =	sdelay $0x2  }
0xb8: {  	s31 =	sshll.u32 s1, $0xD;
	s1 =	sshrl.u32 s1, $0x2  }
0xb9: {  	s3 =	sand.u32 $0x4000, s31;
	s1 =	sadd.s32 s1, s30  }
0xba: {  	s0 =	sor.u32 s3, s0;
	s1 =	sshll.u32 s1, $0x11  }
0xbb: {  	s0 =	sor.u32 s1, s0  }
0xbc: {  	s0 =	sadd.s32 $0x8F2B, s0  }
0xbd: {  	[sflag:s0] =	ssyncadd.remote.s32 $0x1  }
0xbe: {  	_ =	sfence.sel $0xFFFF  }
0xbf: {  	[dreg:$0x0] =	wrdreg $0xFFFFFFFF;
	(pc) =	sbr.abs _section_cstart, $3  }
0xc0: {  	[dreg:$0x1] =	wrdreg $0xFFFFFFFF  }
0xc1: {  	_ =	task.clear_ibuf [dreg:s7], $0x2FFFF;
	_ =	strace $0x9FFFFFFF  }
0xc2: {  	(tm) =	ssettm $0x7FFFFFFF  }
0xc3: {  	_ =	shalt  }
tec
execute0_lowered:
.L_overlay_start_1:
0x0: {  	(tag) =	ssettag $0x1  }
0x1: {  	s3 =	rddreg [dreg:$0x0]  }
0x2: {  	s4 =	rddreg [dreg:$0x1]  }
0x3: {  	v0 =	vimm.s32 $0xEFCDAB89;
	s0 =	rddreg [dreg:$0x2];
	v1 =	vimm.s32 $0x67452301  }
0x4: {  	v2 =	vimm.s32 $0xDCFE98BA;
	s2 =	simm.s32 $0x0;
	s5 =	srdreg.scid;
	s1 =	stileid.u32;
	v3 =	vimm.s32 $0x54761032;
	v4 =	vimm.s32 $0xBA98FEDC  }
0x5: {  	v5 =	vimm.s32 $0x32107654;
	v6 =	vimm.s32 $0xFEDCBA98;
	s10 =	simm.s32 $0x18700;
	s11 =	simm.s32 $0x18780;
	s12 =	simm.s32 $0x1  }
0x6: {  	v7 =	vimm.s32 $0x76543210;
	s13 =	simm.s32 $0x2;
	s14 =	simm.s32 $0x0;
	v0 =	vunpack.c.l.s4.s8 v0;
	v1 =	vunpack.c.l.s4.s8 v1;
	[smem:$0x7FF] =	sst s2  }
0x7: {  	v2 =	vunpack.c.l.s4.s8 v2;
	s5 =	sand.u32 $0x1, s5;
	s6 =	sshll.u32 s1, $0x8;
	s7 =	sshrl.u32 s1, $0x2;
	v3 =	vunpack.c.l.s4.s8 v3;
	v4 =	vunpack.c.l.s4.s8 v4  }
0x8: {  	v5 =	vunpack.c.l.s4.s8 v5;
	v6 =	vunpack.c.l.s4.s8 v6;
	s8 =	sshll.u32 s5, $0x7;
	s6 =	sand.u32 $0x300, s6;
	s28 =	sshll.u32 s7, $0xA;
	v0 =	vunpack.c.0.s8.s32 v0  }
0x9: {  	s7 =	smul.u32 $0xC3800, s7;
	s5 =	ssub.s32 $0x2, s5;
	v1 =	vunpack.c.0.s8.s32 v1;
	v2 =	vunpack.c.0.s8.s32 v2;
	s6 =	sor.u32 s8, s6;
	v3 =	vunpack.c.0.s8.s32 v3  }
0xa: {  	v7 =	vunpack.c.l.s4.s8 v7;
	_ =	strace $0x80000047;
	s9 =	sshrl.u32 s5, $0x1;
	v4 =	vunpack.c.0.s8.s32 v4;
	v5 =	vunpack.c.0.s8.s32 v5;
	s8 =	sor.u32 s28, s6  }
0xb: {  	s6 =	sor.u32 s7, s6;
	s30 =	ssub.s32 s5, s9;
	s7 =	simm.s32 $0x80;
	v0 =	vcombine.low v1, v0;
	v1 =	vcombine.low v3, v2;
	v2 =	vunpack.c.0.s8.s32 v6  }
0xc: {  	s9 =	simm.s32 $0x3;
	s8 =	sshrl.u32 s8, $0x3;
	s31 =	sshrl.u32 s6, $0x3;
	v3 =	vcombine.low v5, v4;
	v4 =	vunpack.c.0.s8.s32 v7  }
0xd: {  	s6 =	smax.u32 s30, $0x1;
	s29 =	sadd.s32 s8, s4;
	s3 =	sadd.s32 s3, s31;
	v0 =	vand.u32 $0xF, v0;
	v1 =	vand.u32 $0xF, v1;
	v5 =	vand.u32 $0xF, v2  }
0xe: {  	s8 =	simm.s32 $0x400;
	s4 =	sadd.s32 $0xE00, s29;
	s5 =	sadd.s32 $0x1000, s29;
	v2 =	vand.u32 $0xF, v3;
	v3 =	vcombine.low v5, v4;
	v4 =	vlaneseq.u32  }
.LBB2_1:
0xf: {  	[tilespmem:s2], [sflag:$0x3] =	stream.strided.gather [hbm4b:s3+s7], $0x18700, s8, s7, $0x38;
	[tilespmem:$0x18800] =	vst v63  }
0x10: {  	_ =	swait.ge [sflag:s9], $0x18700  }
0x11: {  	[sflag:s9] =	ssyncset.done $0x0  }
0x12: {  	s15 =	simm.s32 $0xC0;
	[sflag:s9] =	ssyncadd.s32 $0xFFFE7900  }
0x13: {  	v7 =	vld [tilespmem:s15+$0xFFFFFF40]  }
0x14: {  	v8 =	vld [tilespmem:s15+$0xFFFFFF50]  }
0x15: {  	v9 =	vld [tilespmem:s15+$0xFFFFFF60]  }
0x16: {  	v15 =	vld [tilespmem:s15+$0xFFFFFFB0]  }
0x17: {  	v10 =	vld [tilespmem:s15+$0xFFFFFF70]  }
0x18: {  	v11 =	vld [tilespmem:s15+$0xFFFFFF80]  }
0x19: {  	v12 =	vld [tilespmem:s15+$0xFFFFFF90];
	v5 =	vmul.f32 $1.442695020e+00, v7  }
0x1a: {  	v13 =	vld [tilespmem:s15+$0xFFFFFFA0];
	v6 =	vmul.f32 $1.442695020e+00, v8;
	v14 =	vmul.f32 $1.442695020e+00, v9  }
0x1b: {  	v17 =	vld [tilespmem:s15+$0xFFFFFFE0];
	v20 =	vmul.f32 $1.442695020e+00, v15;
	(erf) = vpow2.f32 v5  }
0x1c: {  	v16 =	vld [tilespmem:s15+$0xFFFFFFD0];
	v5 =	vmul.f32 $1.442695020e+00, v10;
	(erf) = vpow2.f32 v6  }
0x1d: {  	v18 =	vld [tilespmem:s15+$0xFFFFFFF0];
	v6 =	vmul.f32 $1.442695020e+00, v11;
	(erf) = vpow2.f32 v14  }
0x1e: {  	v23 =	vld [tilespmem:s15+$0x30];
	v14 =	vmul.f32 $1.442695020e+00, v12;
	(erf) = vpow2.f32 v5  }
0x1f: {  	v19 =	vld [tilespmem:s15+$0x0];
	v5 =	vmul.f32 $1.442695020e+00, v13;
	(erf) = vpow2.f32 v6  }
0x20: {  	v21 =	vld [tilespmem:s15+$0x10];
	v24 =	vmul.f32 $1.442695020e+00, v17;
	(erf) = vpow2.f32 v14  }
0x21: {  	v22 =	vld [tilespmem:s15+$0x20];
	v14 =	vmul.f32 $1.442695020e+00, v16;
	(erf) = vpow2.f32 v5  }
0x22: {  	v25 =	vmul.f32 $1.442695020e+00, v18;
	v7 =	vmax.f32 v7, v8;
	(erf) = vpow2.f32 v20;
	v20 =	vld [tilespmem:s15+$0x50]  }
0x23: {  	v8 =	vld [tilespmem:s15+$0x60];
	v13 =	vmax.f32 v13, v15;
	v15 =	vmul.f32 $1.442695020e+00, v23;
	(erf) = vpow2.f32 v14  }
0x24: {  	v9 =	vmax.f32 v9, v10;
	v10 =	vld [tilespmem:s15+$0x70];
	v14 =	vmul.f32 $1.442695020e+00, v19;
	v26 =	vpop (erf);
	(erf) = vpow2.f32 v24  }
0x25: {  	v11 =	vmax.f32 v11, v12;
	v12 =	vld [tilespmem:s15+$0x80];
	v24 =	vmul.f32 $1.442695020e+00, v21;
	v27 =	vpop (erf);
	(erf) = vpow2.f32 v25  }
0x26: {  	v17 =	vmax.f32 v17, v18;
	v18 =	vld [tilespmem:s15+$0xA0];
	v25 =	vmul.f32 $1.442695020e+00, v22;
	v28 =	vpop (erf);
	(erf) = vpow2.f32 v14  }
0x27: {  	v14 =	vld [tilespmem:s15+$0x90];
	v29 =	vpop (erf);
	(erf) = vpow2.f32 v24;
	v24 =	vmul.f32 $1.442695020e+00, v20  }
0x28: {  	s16 =	sand.u32 $0x1FFF0, s2;
	v19 =	vmax.f32 v19, v21;
	v21 =	vld [tilespmem:s15+$0xB0];
	v30 =	vpop (erf);
	(erf) = vpow2.f32 v25;
	v25 =	vmul.f32 $1.442695020e+00, v8  }
0x29: {  	v31 =	vpop (erf);
	(erf) = vpow2.f32 v15;
	v15 =	vmax.f32 v22, v23;
	v22 =	vld [tilespmem:s16+$0x80];
	v23 =	vmul.f32 $1.442695020e+00, v10  }
0x2a: {  	v9 =	vmax.f32 v7, v9;
	v32 =	vpop (erf);
	(erf) = vpow2.f32 v24;
	v24 =	vmul.f32 $1.442695020e+00, v12  }
0x2b: {  	v11 =	vmax.f32 v11, v13;
	v13 =	vmul.f32 $1.442695020e+00, v18;
	v33 =	vpop (erf);
	(erf) = vpow2.f32 v25  }
0x2c: {  	v7 =	vld [tilespmem:s16+$0x100];
	v8 =	vmax.f32 v8, v10;
	v10 =	vmul.f32 $1.442695020e+00, v14;
	v25 =	vpop (erf);
	(erf) = vpow2.f32 v23  }
0x2d: {  	s30 =	simm.s32 $0x250;
	v12 =	vmax.f32 v12, v14;
	v14 =	vmul.f32 $1.442695020e+00, v21;
	v23 =	vpop (erf);
	(erf) = vpow2.f32 v24  }
0x2e: {  	v38 =	vld [tilespmem:s30+$0xFFFFFFA0];
	v24 =	vpop (erf);
	(erf) = vpow2.f32 v10;
	v10 =	vmax.f32 v19, v15;
	v19 =	vmul.f32 $1.442695020e+00, v22  }
0x2f: {  	v34 =	vpop (erf);
	(erf) = vpow2.f32 v13  }
0x30: {  	v15 =	vld [tilespmem:s30+$0xFFFFFF40];
	v13 =	vmax.f32 v18, v21;
	(erf) = vpow2.f32 v14;
	v14 =	vmax.f32 v22, v16  }
0x31: {  	v18 =	vld [tilespmem:s30+$0xFFFFFF50];
	v21 =	vmul.f32 $1.442695020e+00, v7;
	v7 =	vmax.f32 v7, v20;
	v35 =	vpop (erf);
	v14 =	vmax.f32 v14, v17  }
0x32: {  	v8 =	vmax.f32 v7, v8;
	v7 =	vld [tilespmem:s16+$0x180];
	(erf) = vpow2.f32 v19;
	v19 =	vpop (erf);
	v10 =	vmax.f32 v14, v10  }
0x33: {  	v44 =	vmul.f32 $1.442695020e+00, v38;
	v16 =	vld [tilespmem:s30+$0xFFFFFF60];
	v17 =	vpop (erf);
	(erf) = vpow2.f32 v21  }
0x34: {  	v9 =	vmax.f32 v9, v11;
	v26 =	vadd.f32 v27, v26;
	v12 =	vmax.f32 v12, v13;
	v13 =	vld [tilespmem:s30+$0xFFFFFF70];
	v11 =	vpop (erf)  }
0x35: {  	v27 =	vadd.f32 v29, v28;
	v30 =	vadd.f32 v31, v30;
	v22 =	vld [tilespmem:s30+$0xFFFFFF90];
	v9 =	vmax.f32 v9, v10;
	v10 =	vpop (erf)  }
0x36: {  	v23 =	vadd.f32 v24, v23;
	v8 =	vmax.f32 v8, v12;
	v12 =	vld [tilespmem:s30+$0xFFFFFF80];
	v24 =	vadd.f32 v35, v34;
	v21 =	vpop (erf)  }
0x37: {  	v20 =	vmax.f32 v15, v18;
	v15 =	vmul.f32 $1.442695020e+00, v15;
	v28 =	vmul.f32 $1.442695020e+00, v7;
	v37 =	vpop (erf)  }
0x38: {  	v18 =	vmul.f32 $1.442695020e+00, v18;
	v17 =	vadd.f32 v17, v19;
	v36 =	vmul.f32 $1.442695020e+00, v16;
	v29 =	vpop (erf)  }
0x39: {  	v31 =	vadd.f32 v33, v32;
	v63 =	vmul.f32 $1.442695020e+00, v13;
	(erf) = vpow2.f32 v28;
	v40 =	vpop (erf)  }
0x3a: {  	v42 =	vmul.f32 $1.442695020e+00, v22;
	v17 =	vadd.f32 v17, v24;
	v10 =	vadd.f32 v21, v10;
	v41 =	vpop (erf)  }
0x3b: {  	v21 =	vld [tilespmem:s30+$0xFFFFFFB0];
	v28 =	vmul.f32 $1.442695020e+00, v12;
	v29 =	vadd.f32 v29, v37;
	(erf) = vpow2.f32 v15;
	v19 =	vpop (erf)  }
0x3c: {  	v15 =	vadd.f32 v27, v26;
	(erf) = vpow2.f32 v18;
	v43 =	vpop (erf);
	v19 =	vadd.f32 v25, v19  }
0x3d: {  	v24 =	vld [tilespmem:s30+$0xFFFFFFE0];
	v33 =	vadd.f32 v41, v40;
	(erf) = vpow2.f32 v36;
	v11 =	vadd.f32 v11, v43  }
0x3e: {  	v26 =	vadd.f32 v31, v30;
	v25 =	vld [tilespmem:s30+$0xFFFFFFD0];
	(erf) = vpow2.f32 v63;
	v19 =	vadd.f32 v23, v19  }
0x3f: {  	v18 =	vadd.f32 v33, v29;
	(erf) = vpow2.f32 v28;
	v10 =	vadd.f32 v10, v11;
	v11 =	vld [tilespmem:s30+$0xFFFFFFF0]  }
0x40: {  	v15 =	vadd.f32 v26, v15;
	v26 =	vld [tilespmem:s30+$0x0];
	v23 =	vmul.f32 $1.442695020e+00, v21;
	(erf) = vpow2.f32 v42  }
0x41: {  	(erf) = vpow2.f32 v44;
	v17 =	vadd.f32 v17, v19;
	v10 =	vadd.f32 v18, v10;
	v18 =	vld [tilespmem:s30+$0x10]  }
0x42: {  	v14 =	vimm.f32 $0.0e+00;
	v16 =	vmax.f32 v16, v13;
	v27 =	vld [tilespmem:s30+$0x20];
	(erf) = vpow2.f32 v23;
	v19 =	vpop (erf)  }
0x43: {  	v13 =	vmul.f32 $1.442695020e+00, v25;
	v15 =	vadd.f32 v17, v15;
	v17 =	vld [tilespmem:s30+$0x30];
	v10 =	vadd.f32 v10, v19  }
0x44: {  	v12 =	vmax.f32 v12, v22;
	v22 =	vld [tilespmem:s30+$0x50];
	v19 =	vmul.f32 $1.442695020e+00, v24;
	v23 =	vmul.f32 $1.442695020e+00, v11  }
0x45: {  	v28 =	vmul.f32 $1.442695020e+00, v26;
	(erf) = vpow2.f32 v13;
	v10 =	vadd.f32 v10, v15;
	v15 =	vld [tilespmem:s30+$0x60]  }
0x46: {  	v29 =	vpop (erf);
	(erf) = vpow2.f32 v19;
	v19 =	vmax.f32 v38, v21;
	v21 =	vld [tilespmem:s30+$0x70];
	v30 =	vmul.f32 $1.442695020e+00, v18  }
0x47: {  	v31 =	vpop (erf);
	(erf) = vpow2.f32 v23;
	v13 =	vadd.f32 v10, v14;
	v10 =	vld [tilespmem:s30+$0x80];
	v14 =	vmul.f32 $1.442695020e+00, v27  }
0x48: {  	v11 =	vmax.f32 v24, v11;
	(erf) = vpow2.f32 v28;
	v28 =	vmul.f32 $1.442695020e+00, v17;
	v23 =	vpop (erf)  }
0x49: {  	v24 =	vld [tilespmem:s30+$0x90];
	v18 =	vmax.f32 v26, v18;
	v32 =	vpop (erf);
	(erf) = vpow2.f32 v30;
	v30 =	vmul.f32 $1.442695020e+00, v22  }
0x4a: {  	s31 =	simm.s32 $0x190;
	v26 =	vld [tilespmem:s30+$0xA0];
	v45 =	vpop (erf);
	(erf) = vpow2.f32 v14;
	v14 =	vmax.f32 v27, v17;
	v27 =	vmul.f32 $1.442695020e+00, v15  }
0x4b: {  	s16 =	sand.u32 $0x1FFF0, s31;
	v17 =	vld [tilespmem:s30+$0xB0];
	v46 =	vpop (erf);
	(erf) = vpow2.f32 v28;
	v28 =	vmul.f32 $1.442695020e+00, v21  }
0x4c: {  	v16 =	vmax.f32 v20, v16;
	v20 =	vld [tilespmem:s16+$0x80];
	v47 =	vpop (erf);
	(erf) = vpow2.f32 v30;
	v30 =	vmul.f32 $1.442695020e+00, v10  }
0x4d: {  	v15 =	vmax.f32 v15, v21;
	v21 =	vld [tilespmem:s16+$0x100];
	v48 =	vpop (erf);
	(erf) = vpow2.f32 v27  }
0x4e: {  	v12 =	vmax.f32 v12, v19;
	v19 =	vmul.f32 $1.442695020e+00, v24;
	v27 =	vpop (erf);
	(erf) = vpow2.f32 v28  }
0x4f: {  	v24 =	vmax.f32 v10, v24;
	v10 =	vmul.f32 $1.442695020e+00, v26;
	v28 =	vpop (erf);
	(erf) = vpow2.f32 v30  }
0x50: {  	v14 =	vmax.f32 v18, v14;
	v18 =	vmul.f32 $1.442695020e+00, v17;
	v30 =	vpop (erf);
	(erf) = vpow2.f32 v19  }
0x51: {  	v17 =	vmax.f32 v26, v17;
	v26 =	vmul.f32 $1.442695020e+00, v20;
	v49 =	vpop (erf);
	(erf) = vpow2.f32 v10  }
0x52: {  	s15 =	simm.s32 $0x3E0;
	v10 =	vmax.f32 v20, v25;
	(erf) = vpow2.f32 v18;
	v18 =	vmax.f32 v21, v22  }
0x53: {  	v6 =	vimm.f32 $-Inf;
	v19 =	vld [tilespmem:s15+$0xFFFFFF40];
	v25 =	vmul.f32 $1.442695020e+00, v21;
	v50 =	vpop (erf);
	v11 =	vmax.f32 v10, v11  }
0x54: {  	v5 =	vimm.s32 $0x0;
	v10 =	vld [tilespmem:s16+$0x180];
	(erf) = vpow2.f32 v26;
	v22 =	vpop (erf);
	v11 =	vmax.f32 v11, v14  }
0x55: {  	v29 =	vadd.f32 v31, v29;
	v20 =	vld [tilespmem:s15+$0xFFFFFF50];
	v15 =	vmax.f32 v18, v15;
	v18 =	vpop (erf);
	(erf) = vpow2.f32 v25  }
0x56: {  	v12 =	vmax.f32 v16, v12;
	v23 =	vadd.f32 v32, v23;
	v33 =	vadd.f32 v46, v45;
	v21 =	vld [tilespmem:s15+$0xFFFFFF60];
	v16 =	vpop (erf)  }
0x57: {  	v17 =	vmax.f32 v24, v17;
	v24 =	vmax.f32 v8, v7;
	v14 =	vld [tilespmem:s15+$0xFFFFFF70];
	v7 =	vmax.f32 v12, v11;
	v11 =	vpop (erf)  }
0x58: {  	v28 =	vadd.f32 v30, v28;
	v8 =	vmax.f32 v15, v17;
	v12 =	vmax.f32 v9, v24;
	v17 =	vld [tilespmem:s15+$0xFFFFFF80];
	v15 =	vpop (erf)  }
0x59: {  	v9 =	vmax.f32 v6, v12;
	vm0 =	vgt.f32 v12, v6;
	v12 =	vmul.f32 $1.442695020e+00, v10;
	v39 =	vpop (erf)  }
0x5a: {  	v30 =	vadd.f32 v50, v49;
	v24 =	vld [tilespmem:s15+$0xFFFFFF90];
	v26 =	vmax.f32 v19, v20;
	v19 =	vmul.f32 $1.442695020e+00, v19;
	v31 =	vpop (erf)  }
0x5b: {  	v20 =	vmul.f32 $1.442695020e+00, v20;
	v18 =	vadd.f32 v18, v22;
	(erf) = vpow2.f32 v12;
	v53 =	vpop (erf)  }
0x5c: {  	v52 =	vadd.f32 v48, v47;
	v25 =	vmul.f32 $1.442695020e+00, v21;
	v51 =	vmul.f32 $1.442695020e+00, v14;
	v54 =	vpop (erf)  }
0x5d: {  	v6 =	vld [tilespmem:s15+$0xFFFFFFA0];
	v18 =	vadd.f32 v18, v30;
	v12 =	vmul.f32 $1.442695020e+00, v17;
	v11 =	vadd.f32 v15, v11;
	v15 =	vpop (erf)  }
0x5e: {  	(erf) = vpow2.f32 v19;
	v19 =	vadd.f32 v23, v29;
	v31 =	vadd.f32 v31, v39;
	v56 =	vpop (erf)  }
0x5f: {  	v55 =	vmul.f32 $1.442695020e+00, v24;
	v35 =	vadd.f32 v54, v53;
	v16 =	vadd.f32 v16, v56  }
0x60: {  	v22 =	vld [tilespmem:s15+$0xFFFFFFB0];
	v17 =	vmax.f32 v17, v24;
	v23 =	vadd.f32 v52, v33;
	v27 =	vadd.f32 v27, v15  }
0x61: {  	(erf) = vpow2.f32 v20;
	v15 =	vld [tilespmem:s15+$0xFFFFFFD0];
	v20 =	vadd.f32 v35, v31;
	v11 =	vadd.f32 v11, v16  }
0x62: {  	v30 =	vld [tilespmem:s15+$0xFFFFFFE0];
	v57 =	vmul.f32 $1.442695020e+00, v6;
	(erf) = vpow2.f32 v25;
	v25 =	vadd.f32 v28, v27  }
0x63: {  	v19 =	vadd.f32 v23, v19;
	(erf) = vpow2.f32 v51;
	v16 =	vld [tilespmem:s15+$0xFFFFFFF0];
	v11 =	vadd.f32 v20, v11  }
0x64: {  	(erf) = vpow2.f32 v12;
	v28 =	vld [tilespmem:s15+$0x0];
	v12 =	vadd.f32 v18, v25;
	v20 =	vmax.f32 v21, v14;
	v21 =	vpop (erf)  }
0x65: {  	(erf) = vpow2.f32 v55;
	v27 =	vmul.f32 $1.442695020e+00, v22;
	v18 =	vld [tilespmem:s15+$0x10];
	v11 =	vadd.f32 v11, v21  }
0x66: {  	(erf) = vpow2.f32 v57;
	v25 =	vld [tilespmem:s15+$0x20];
	v14 =	vmul.f32 $1.442695020e+00, v15;
	v12 =	vadd.f32 v12, v19  }
0x67: {  	v58 =	vmax.f32 v6, v22;
	v23 =	vmul.f32 $1.442695020e+00, v30;
	(erf) = vpow2.f32 v27;
	v19 =	vld [tilespmem:s15+$0x30]  }
0x68: {  	v21 =	vld [tilespmem:s15+$0x50];
	(erf) = vpow2.f32 v14;
	v24 =	vmul.f32 $1.442695020e+00, v16;
	v14 =	vadd.f32 v11, v12  }
0x69: {  	v33 =	vmax.f32 v17, v58;
	v27 =	vld [tilespmem:s15+$0x60];
	v22 =	vmul.f32 $1.442695020e+00, v28;
	v11 =	vpop (erf);
	(erf) = vpow2.f32 v23  }
0x6a: {  	v59 =	vld [tilespmem:s15+$0x70];
	v60 =	vmul.f32 $1.442695020e+00, v18;
	v6 =	vadd.f32 v14, v13;
	v12 =	vpop (erf);
	(erf) = vpow2.f32 v24  }
0x6b: {  	v29 =	vld [tilespmem:s15+$0x80];
	v23 =	vmax.f32 v30, v16;
	v30 =	vmul.f32 $1.442695020e+00, v25;
	v13 =	vpop (erf);
	(erf) = vpow2.f32 v22  }
0x6c: {  	v17 =	vmov v9;
	v61 =	vmul.f32 $1.442695020e+00, v19;
	v24 =	vld [tilespmem:s15+$0x90];
	v14 =	vpop (erf);
	(erf) = vpow2.f32 v60  }
0x6d: {  	s19 =	simm.s32 $0x320;
	v31 =	vmax.f32 v28, v18;
	v62 =	vmul.f32 $1.442695020e+00, v21;
	v22 =	vld [tilespmem:s15+$0xA0];
	v16 =	vpop (erf);
	(erf) = vpow2.f32 v30  }
0x6e: {  	s21 =	sand.u32 $0x1FFF0, s19;
	v63 =	vmul.f32 $1.442695020e+00, v27;
	v35 =	vmax.f32 v25, v19;
	v25 =	vld [tilespmem:s15+$0xB0];
	v18 =	vpop (erf);
	(erf) = vpow2.f32 v61  }
0x6f: {  	s17 =	simm.s32 $0x2;
	v28 =	vmax.f32 v26, v20;
	v26 =	vld [tilespmem:s21+$0x80];
	v30 =	vmul.f32 $1.442695020e+00, v59;
	v19 =	vpop (erf);
	(erf) = vpow2.f32 v62  }
0x70: {  	s20 =	simm.s32 $0x3;
	s18 =	simm.s32 $0x0;
	s16 =	simm.s32 $0x1;
	v32 =	vmul.f32 $1.442695020e+00, v29;
	v34 =	vmax.f32 v27, v59;
	v27 =	vld [tilespmem:s21+$0x100];
	v20 =	vpop (erf);
	(erf) = vpow2.f32 v63  }
.LBB2_2:
0x71: {  	p0 =	sne.s32 s20, $0xF9;
	v29 =	vmax.f32 v29, v24;
	v24 =	vmul.f32 $1.442695020e+00, v24;
	v36 =	vpop (erf);
	(erf) = vpow2.f32 v30  }
0x72: {  	v30 =	vmax.f32 v31, v35;
	v31 =	vmul.f32 $1.442695020e+00, v22;
	v35 =	vpop (erf);
	(erf) = vpow2.f32 v32  }
0x73: {  	s15 =	sadd.s32 $0x190, s15;
	v22 =	vmax.f32 v22, v25;
	v25 =	vmul.f32 $1.442695020e+00, v25;
	v32 =	vpop (erf);
	(erf) = vpow2.f32 v24  }
0x74: {  	v24 =	vld [tilespmem:s15+$0xFFFFFF40];
	v15 =	vmax.f32 v26, v15;
	v26 =	vmul.f32 $1.442695020e+00, v26;
	v37 =	vpop (erf);
	(erf) = vpow2.f32 v31  }
0x75: {  	v31 =	vld [tilespmem:s15+$0xFFFFFF50];
	v21 =	vmax.f32 v27, v21;
	v27 =	vmul.f32 $1.442695020e+00, v27;
	v38 =	vpop (erf);
	(erf) = vpow2.f32 v25  }
0x76: {  	v15 =	vmax.f32 v15, v23;
	v25 =	vld [tilespmem:s15+$0xFFFFFF60];
	v21 =	vmax.f32 v21, v34;
	(erf) = vpow2.f32 v26;
	v23 =	vpop (erf)  }
0x77: {  	v22 =	vmax.f32 v29, v22;
	v15 =	vmax.f32 v15, v30;
	v26 =	vld [tilespmem:s21+$0x180];
	v29 =	vpop (erf);
	(erf) = vpow2.f32 v27  }
0x78: {  	v28 =	vmax.f32 v28, v33;
	v10 =	vmax.f32 v8, v10;
	v8 =	vmax.f32 v21, v22;
	v27 =	vld [tilespmem:s15+$0xFFFFFF70];
	v30 =	vpop (erf)  }
0x79: {  	v5 =	vsel vm0, s18, v5;
	s18 =	smov.u32 s16;
	s16 =	smov.u32 s17;
	s17 =	smov.u32 s20;
	v10 =	vmax.f32 v7, v10;
	v7 =	vmax.f32 v28, v15;
	v21 =	vpop (erf)  }
0x7a: {  	v9 =	vmax.f32 v9, v10;
	v22 =	vld [tilespmem:s15+$0xFFFFFF80];
	v28 =	vmax.f32 v24, v31;
	v24 =	vmul.f32 $1.442695020e+00, v24;
	v15 =	vpop (erf)  }
0x7b: {  	vm0 =	vgt.f32 v10, v17;
	v31 =	vmul.f32 $1.442695020e+00, v31;
	v33 =	vld [tilespmem:s15+$0xFFFFFF90];
	v34 =	vmul.f32 $1.442695020e+00, v25;
	v39 =	vpop (erf)  }
0x7c: {  	v11 =	vadd.f32 v12, v11;
	v12 =	vadd.f32 v14, v13;
	v40 =	vld [tilespmem:s15+$0xFFFFFFA0];
	v41 =	vmul.f32 $1.442695020e+00, v26;
	v13 =	vpop (erf)  }
0x7d: {  	v16 =	vadd.f32 v18, v16;
	v18 =	vadd.f32 v20, v19;
	v14 =	vmul.f32 $1.442695020e+00, v27;
	v17 =	vpop (erf)  }
0x7e: {  	v19 =	vadd.f32 v32, v35;
	v20 =	vadd.f32 v38, v37;
	v32 =	vpop (erf);
	(erf) = vpow2.f32 v41  }
0x7f: {  	v23 =	vadd.f32 v29, v23;
	v21 =	vadd.f32 v15, v21;
	v35 =	vmul.f32 $1.442695020e+00, v22;
	v10 =	vpop (erf)  }
0x80: {  	v13 =	vadd.f32 v13, v39;
	v32 =	vadd.f32 v32, v17;
	v29 =	vld [tilespmem:s15+$0xFFFFFFB0];
	v37 =	vmul.f32 $1.442695020e+00, v33;
	v15 =	vpop (erf)  }
0x81: {  	v17 =	vmovc v9;
	v36 =	vadd.f32 v36, v10;
	v10 =	vmovc v26;
	v38 =	vmul.f32 $1.442695020e+00, v40;
	v30 =	vadd.f32 v30, v15  }
0x82: {  	v11 =	vadd.f32 v12, v11;
	v12 =	vadd.f32 v18, v16;
	v15 =	vld [tilespmem:s15+$0xFFFFFFD0];
	(erf) = vpow2.f32 v24  }
0x83: {  	v16 =	vadd.f32 v23, v20;
	v13 =	vadd.f32 v32, v13;
	(erf) = vpow2.f32 v31  }
0x84: {  	v19 =	vadd.f32 v19, v36;
	v20 =	vadd.f32 v21, v30;
	v18 =	vld [tilespmem:s15+$0xFFFFFFE0];
	(erf) = vpow2.f32 v34  }
0x85: {  	v11 =	vadd.f32 v12, v11;
	v23 =	vld [tilespmem:s15+$0xFFFFFFF0];
	v21 =	vmul.f32 $1.442695020e+00, v29;
	(erf) = vpow2.f32 v14  }
0x86: {  	v12 =	vadd.f32 v16, v19;
	v13 =	vadd.f32 v13, v20;
	v14 =	vld [tilespmem:s15+$0x0];
	(erf) = vpow2.f32 v35  }
0x87: {  	v19 =	vmax.f32 v25, v27;
	v16 =	vld [tilespmem:s15+$0x10];
	v20 =	vmul.f32 $1.442695020e+00, v15;
	(erf) = vpow2.f32 v37;
	v24 =	vpop (erf)  }
0x88: {  	v30 =	vadd.f32 v12, v11;
	v25 =	vld [tilespmem:s15+$0x20];
	(erf) = vpow2.f32 v38;
	v12 =	vadd.f32 v13, v24  }
0x89: {  	v32 =	vmax.f32 v22, v33;
	v26 =	vld [tilespmem:s15+$0x30];
	v13 =	vmul.f32 $1.442695020e+00, v18;
	(erf) = vpow2.f32 v21  }
0x8a: {  	v21 =	vld [tilespmem:s15+$0x50];
	v22 =	vmul.f32 $1.442695020e+00, v23;
	(erf) = vpow2.f32 v20;
	v20 =	vadd.f32 v12, v30  }
0x8b: {  	v33 =	vmax.f32 v40, v29;
	v27 =	vld [tilespmem:s15+$0x60];
	v24 =	vmul.f32 $1.442695020e+00, v14;
	v11 =	vpop (erf);
	(erf) = vpow2.f32 v13  }
0x8c: {  	v30 =	vld [tilespmem:s15+$0x70];
	v34 =	vmul.f32 $1.442695020e+00, v16;
	v12 =	vpop (erf);
	(erf) = vpow2.f32 v22;
	v6 =	vadd.f32 v20, v6  }
0x8d: {  	v23 =	vmax.f32 v18, v23;
	v29 =	vld [tilespmem:s15+$0x80];
	v38 =	vmul.f32 $1.442695020e+00, v25;
	v13 =	vpop (erf);
	(erf) = vpow2.f32 v24  }
.Ltmp0:
0x8e: {  	v31 =	vmax.f32 v14, v16;
	v24 =	vld [tilespmem:s15+$0x90];
	v20 =	vmul.f32 $1.442695020e+00, v26;
	v14 =	vpop (erf);
	(erf) = vpow2.f32 v34;
	(pc) =	sbr.rel @p0 .LBB2_2-.Ltmp0, $4  }
0x8f: {  	s19 =	sadd.s32 $0x190, s19;
	v35 =	vmax.f32 v25, v26;
	v22 =	vld [tilespmem:s15+$0xA0];
	v36 =	vmul.f32 $1.442695020e+00, v21;
	v16 =	vpop (erf);
	(erf) = vpow2.f32 v38  }
0x90: {  	s21 =	sand.u32 $0x1FFF0, s19;
	v28 =	vmax.f32 v28, v19;
	v25 =	vld [tilespmem:s15+$0xB0];
	v37 =	vmul.f32 $1.442695020e+00, v27;
	v18 =	vpop (erf);
	(erf) = vpow2.f32 v20  }
0x91: {  	v26 =	vld [tilespmem:s21+$0x80];
	v34 =	vmax.f32 v27, v30;
	v30 =	vmul.f32 $1.442695020e+00, v30;
	v19 =	vpop (erf);
	(erf) = vpow2.f32 v36  }
0x92: {  	s20 =	sadd.s32 $0x1, s20;
	v33 =	vmax.f32 v32, v33;
	v27 =	vld [tilespmem:s21+$0x100];
	v32 =	vmul.f32 $1.442695020e+00, v29;
	v20 =	vpop (erf);
	(erf) = vpow2.f32 v37  }
0x93: {  	_ =	sdelay $0x1  }
0x94: {  	v36 =	vld [tilespmem:s21+$0x180]  }
0x95: {  	v29 =	vmax.f32 v29, v24;
	v31 =	vmax.f32 v31, v35;
	v28 =	vmax.f32 v28, v33  }
0x96: {  	v62 =	vmax.f32 v22, v25;
	v15 =	vmax.f32 v26, v15;
	v21 =	vmax.f32 v27, v21  }
0x97: {  	v63 =	vmax.f32 v29, v62;
	v15 =	vmax.f32 v15, v23;
	v21 =	vmax.f32 v21, v34  }
0x98: {  	v8 =	vmax.f32 v8, v10;
	v15 =	vmax.f32 v15, v31;
	v21 =	vmax.f32 v21, v63  }
0x99: {  	v7 =	vmax.f32 v7, v8;
	v31 =	vmax.f32 v28, v15;
	v33 =	vmax.f32 v21, v36  }
0x9a: {  	v9 =	vmax.f32 v9, v7;
	v8 =	vmax.f32 v31, v33  }
0x9b: {  	v10 =	vmax.f32 v9, v8  }
0x9c: {  	v34 =	vperm.xlane v10, v0;
	_ =	sdelay $0x1  }
0x9d: {  	v15 =	vmax.f32 v10, v34  }
0x9e: {  	v35 =	vperm.xlane v15, v1;
	_ =	sdelay $0x1  }
0x9f: {  	v15 =	vmax.f32 v15, v35  }
0xa0: {  	v21 =	vperm.xlane v15, v2;
	_ =	sdelay $0x1  }
0xa1: {  	v15 =	vmax.f32 v15, v21  }
0xa2: {  	v21 =	vperm.xlane v15, v3  }
0xa3: {  	v5 =	vsel vm0, s18, v5;
	vm6 =	vgt.f32 v7, v17  }
0xa4: {  	v7 =	vsel vm6, s16, v5;
	vm7 =	vgt.f32 v8, v9;
	v5 =	vmax.f32 v15, v21  }
0xa5: {  	v7 =	vsel vm7, s17, v7;
	vm8 =	veq.f32 v10, v5  }
0xa6: {  	v7 =	vnsel vm8, $0xFA, v7  }
0xa7: {  	v37 =	vperm.xlane v7, v0;
	_ =	sdelay $0x1  }
0xa8: {  	vm0 =	vlt.s32 v7, v37  }
0xa9: {  	v7 =	vsel vm0, v7, v37  }
0xaa: {  	v8 =	vperm.xlane v7, v1;
	_ =	sdelay $0x1  }
0xab: {  	vm0 =	vlt.s32 v7, v8  }
0xac: {  	v7 =	vsel vm0, v7, v8  }
0xad: {  	v8 =	vperm.xlane v7, v2;
	_ =	sdelay $0x1  }
0xae: {  	vm0 =	vlt.s32 v7, v8  }
0xaf: {  	v7 =	vsel vm0, v7, v8  }
0xb0: {  	v40 =	vperm.xlane v7, v3;
	_ =	sdelay $0x1  }
0xb1: {  	vm0 =	vlt.s32 v7, v40  }
0xb2: {  	v7 =	vsel vm0, v7, v40  }
0xb3: {  	(v2sf) =	vpush v7, $0x0;
	_ =	sdelay $0x1  }
0xb4: {  	v38 =	vmul.f32 $1.442695020e+00, v24;
	v39 =	vpop (erf);
	(erf) = vpow2.f32 v30  }
0xb5: {  	v41 =	vmul.f32 $1.442695020e+00, v22;
	v42 =	vpop (erf);
	(erf) = vpow2.f32 v32  }
0xb6: {  	v43 =	vmul.f32 $1.442695020e+00, v25;
	v44 =	vpop (erf);
	(erf) = vpow2.f32 v38  }
0xb7: {  	v45 =	vmul.f32 $1.442695020e+00, v26;
	v46 =	vpop (erf);
	(erf) = vpow2.f32 v41  }
0xb8: {  	v47 =	vmul.f32 $1.442695020e+00, v27;
	v48 =	vpop (erf);
	(erf) = vpow2.f32 v43  }
0xb9: {  	(erf) = vpow2.f32 v45;
	v7 =	vpop (erf)  }
0xba: {  	(erf) = vpow2.f32 v47;
	v49 =	vpop (erf)  }
0xbb: {  	v50 =	vpop (erf)  }
0xbc: {  	v51 =	vpop (erf)  }
0xbd: {  	v52 =	vpop (erf)  }
0xbe: {  	v11 =	vadd.f32 v12, v11;
	v55 =	vadd.f32 v14, v13;
	v54 =	vmul.f32 $1.442695020e+00, v36;
	v53 =	vpop (erf)  }
0xbf: {  	v57 =	vadd.f32 v18, v16;
	v58 =	vadd.f32 v20, v19;
	v56 =	vpop (erf)  }
0xc0: {  	v11 =	vadd.f32 v55, v11;
	v17 =	vadd.f32 v44, v42;
	(erf) = vpow2.f32 v54;
	v59 =	vpop (erf)  }
0xc1: {  	v15 =	vadd.f32 v48, v46;
	v21 =	vadd.f32 v58, v57;
	v60 =	vpop (erf);
	s15 =	spop (v2sf)  }
0xc2: {  	v7 =	vadd.f32 v49, v7;
	v61 =	vadd.f32 v52, v51;
	v62 =	vpop (erf);
	s15 =	smul.u32 $0x190, s15  }
0xc3: {  	v13 =	vadd.f32 v56, v53;
	v63 =	vpop (erf);
	v8 =	vadd.f32 v39, v62  }
0xc4: {  	v18 =	vadd.f32 v60, v59;
	v10 =	vadd.f32 v50, v63;
	v25 =	vld [tilespmem:s15+$0x0]  }
0xc5: {  	v7 =	vadd.f32 v7, v15;
	v8 =	vadd.f32 v17, v8;
	v26 =	vld [tilespmem:s15+$0x10]  }
0xc6: {  	v13 =	vadd.f32 v18, v13;
	v9 =	vadd.f32 v61, v10;
	v27 =	vld [tilespmem:s15+$0x20]  }
0xc7: {  	v22 =	vadd.f32 v21, v11;
	v7 =	vadd.f32 v7, v8;
	v28 =	vld [tilespmem:s15+$0x30]  }
0xc8: {  	v23 =	vadd.f32 v13, v9;
	v29 =	vld [tilespmem:s15+$0x40]  }
0xc9: {  	v24 =	vpop (erf);
	v7 =	vadd.f32 v7, v22;
	s18 =	sadd.s32 $0x20, s15;
	v31 =	vld [tilespmem:s15+$0x50];
	v32 =	vor.u32 s15, v4;
	s21 =	sadd.s32 $0x30, s15  }
0xca: {  	v33 =	vld [tilespmem:s15+$0x60];
	s22 =	sadd.s32 $0x40, s15;
	s23 =	sadd.s32 $0x50, s15;
	s24 =	sadd.s32 $0x60, s15;
	v8 =	vadd.f32 v23, v24;
	v30 =	vor.u32 s18, v4;
	v35 =	vor.u32 s21, v4  }
0xcb: {  	s19 =	sadd.s32 $0x80, s15;
	v36 =	vld [tilespmem:s15+$0x70];
	s25 =	sadd.s32 $0x70, s15;
	s26 =	sadd.s32 $0x90, s15;
	v37 =	vor.u32 s22, v4;
	v39 =	vor.u32 s23, v4;
	v41 =	vor.u32 s24, v4  }
0xcc: {  	v38 =	vld [tilespmem:s15+$0x90];
	s28 =	sadd.s32 $0xA0, s15;
	s29 =	sadd.s32 $0xB0, s15;
	s30 =	sadd.s32 $0x100, s15;
	v43 =	vor.u32 s25, v4;
	v44 =	vor.u32 s19, v4;
	v46 =	vor.u32 s26, v4  }
0xcd: {  	v40 =	vld [tilespmem:s15+$0xA0];
	s20 =	sand.u32 $0xFFFFFF80, s19;
	v47 =	vor.u32 s28, v4;
	v49 =	vor.u32 s29, v4;
	s19 =	sadd.s32 $0xC0, s15;
	s21 =	sadd.s32 $0xE0, s15;
	v7 =	vadd.f32 v8, v7  }
0xce: {  	v42 =	vld [tilespmem:s15+$0xB0];
	s22 =	sadd.s32 $0xF0, s15;
	s23 =	sadd.s32 $0x110, s15;
	v61 =	vor.u32 s30, v4;
	v53 =	vor.u32 s19, v4;
	v57 =	vor.u32 s21, v4  }
0xcf: {  	s17 =	sadd.s32 $0x10, s15;
	v45 =	vld [tilespmem:s15+$0xC0];
	v59 =	vor.u32 s22, v4;
	v62 =	vor.u32 s23, v4;
	v6 =	vadd.f32 v7, v6  }
0xd0: {  	v7 =	vor.u32 s17, v4;
	vm9 =	veq.f32 v25, v5;
	vm1 =	veq.f32 v26, v5  }
0xd1: {  	v48 =	vld [tilespmem:s15+$0xD0];
	vm10 =	veq.f32 v27, v5;
	vm11 =	veq.f32 v28, v5;
	vm12 =	veq.f32 v29, v5  }
0xd2: {  	v50 =	vld [tilespmem:s15+$0xE0];
	vm13 =	veq.f32 v31, v5;
	vm14 =	veq.f32 v33, v5;
	vm15 =	veq.f32 v36, v5  }
0xd3: {  	v51 =	vld [tilespmem:s15+$0xF0];
	s24 =	sadd.s32 $0x120, s15;
	s28 =	sadd.s32 $0x130, s15;
	vm5 =	veq.f32 v38, v5;
	vm6 =	veq.f32 v40, v5;
	vm7 =	veq.f32 v42, v5  }
0xd4: {  	v54 =	vld [tilespmem:s15+$0x110];
	s25 =	sadd.s32 $0x180, s15;
	s29 =	sadd.s32 $0x140, s15;
	vm8 =	veq.f32 v45, v5;
	v33 =	vor.u32 s24, v4;
	v36 =	vor.u32 s28, v4  }
0xd5: {  	v56 =	vld [tilespmem:s15+$0x120];
	v38 =	vor.u32 s29, v4;
	v42 =	vor.u32 s25, v4;
	v11 =	vnsel vm9, $0x186A0, v32  }
0xd6: {  	v58 =	vld [tilespmem:s15+$0x130];
	v7 =	vnsel vm1, $0x186A0, v7;
	v13 =	vnsel vm10, $0x186A0, v30;
	v8 =	vnsel vm11, $0x186A0, v35  }
0xd7: {  	v63 =	vld [tilespmem:s15+$0x150];
	v12 =	vnsel vm12, $0x186A0, v37;
	v14 =	vnsel vm13, $0x186A0, v39;
	v9 =	vnsel vm14, $0x186A0, v41  }
0xd8: {  	s16 =	sand.u32 $0x70, s15;
	v19 =	vnsel vm15, $0x186A0, v43;
	v15 =	vnsel vm5, $0x186A0, v46;
	v17 =	vnsel vm6, $0x186A0, v47  }
0xd9: {  	s17 =	sor.u32 s16, s20;
	s20 =	sadd.s32 $0xD0, s15;
	v10 =	vnsel vm7, $0x186A0, v49;
	v21 =	vnsel vm8, $0x186A0, v53;
	vm9 =	veq.f32 v48, v5  }
0xda: {  	v55 =	vor.u32 s20, v4;
	vm10 =	veq.f32 v50, v5;
	vm11 =	veq.f32 v51, v5  }
0xdb: {  	s31 =	sand.u32 $0xFFFFFF80, s30;
	s30 =	sadd.s32 $0x150, s15;
	vm13 =	veq.f32 v54, v5;
	vm14 =	veq.f32 v56, v5;
	vm15 =	veq.f32 v58, v5  }
0xdc: {  	vm5 =	veq.f32 v63, v5;
	v39 =	vor.u32 s30, v4;
	v23 =	vnsel vm9, $0x186A0, v55  }
0xdd: {  	v24 =	vnsel vm10, $0x186A0, v57;
	v16 =	vnsel vm11, $0x186A0, v59;
	v29 =	vnsel vm13, $0x186A0, v62  }
0xde: {  	v34 =	vld [tilespmem:s17+$0x0];
	s17 =	sor.u32 s16, s31;
	s31 =	sadd.s32 $0x160, s15;
	v18 =	vnsel vm14, $0x186A0, v33;
	v26 =	vnsel vm15, $0x186A0, v36;
	v30 =	vnsel vm5, $0x186A0, v39  }
0xdf: {  	v40 =	vor.u32 s31, v4;
	vm2 =	vlt.s32 v11, v7;
	vm9 =	vlt.s32 v13, v8  }
0xe0: {  	v60 =	vld [tilespmem:s15+$0x140];
	vm10 =	vlt.s32 v12, v14;
	vm11 =	vlt.s32 v9, v19;
	vm13 =	vlt.s32 v17, v10  }
0xe1: {  	s26 =	sand.u32 $0xFFFFFF80, s25;
	v35 =	vld [tilespmem:s15+$0x170];
	v49 =	vperm.xlane v6, v0;
	v7 =	vsel vm2, v11, v7;
	v8 =	vsel vm9, v13, v8  }
0xe2: {  	s16 =	sor.u32 s16, s26;
	v52 =	vld [tilespmem:s17+$0x0];
	v43 =	vsel vm10, v12, v14;
	v9 =	vsel vm11, v9, v19;
	vm14 =	vlt.s32 v21, v23  }
0xe3: {  	v37 =	vld [tilespmem:s16+$0x0];
	v10 =	vsel vm13, v17, v10;
	vm15 =	vlt.s32 v24, v16;
	vm5 =	vlt.s32 v18, v26  }
0xe4: {  	v45 =	vsel vm14, v21, v23;
	v46 =	vsel vm15, v24, v16;
	v6 =	vadd.f32 v49, v6  }
0xe5: {  	v48 =	vsel vm5, v18, v26;
	vm9 =	vlt.s32 v43, v9;
	vm11 =	vlt.s32 v45, v46  }
0xe6: {  	vm4 =	veq.f32 v34, v5;
	v34 =	vld [tilespmem:s15+$0x160];
	vm7 =	veq.f32 v35, v5;
	v54 =	vperm.xlane v6, v1  }
0xe7: {  	s15 =	sadd.s32 $0x170, s15;
	v55 =	vsel vm11, v45, v46;
	v20 =	vnsel vm4, $0x186A0, v44;
	vm12 =	veq.f32 v52, v5  }
0xe8: {  	vm4 =	veq.f32 v60, v5;
	v41 =	vor.u32 s15, v4;
	vm8 =	veq.f32 v37, v5  }
0xe9: {  	v52 =	vsel vm9, v43, v9;
	v28 =	vnsel vm12, $0x186A0, v61;
	v27 =	vnsel vm4, $0x186A0, v38  }
0xea: {  	v25 =	vnsel vm7, $0x186A0, v41;
	v31 =	vnsel vm8, $0x186A0, v42;
	vm12 =	vlt.s32 v20, v15  }
0xeb: {  	vm8 =	vlt.s32 v7, v8;
	v6 =	vadd.f32 v54, v6;
	vm6 =	veq.f32 v34, v5  }
0xec: {  	v44 =	vsel vm12, v20, v15;
	vm4 =	vlt.s32 v28, v29;
	v22 =	vnsel vm6, $0x186A0, v40  }
0xed: {  	v7 =	vsel vm8, v7, v8;
	vm6 =	vlt.s32 v27, v30;
	vm7 =	vlt.s32 v22, v25  }
0xee: {  	v47 =	vsel vm4, v28, v29;
	v50 =	vsel vm6, v27, v30;
	v51 =	vsel vm7, v22, v25  }
0xef: {  	vm10 =	vlt.s32 v44, v10;
	vm12 =	vlt.s32 v47, v48;
	vm13 =	vlt.s32 v50, v51  }
0xf0: {  	v53 =	vsel vm10, v44, v10;
	v56 =	vsel vm12, v47, v48;
	v57 =	vsel vm13, v50, v51  }
0xf1: {  	vm14 =	vlt.s32 v7, v52;
	vm15 =	vlt.s32 v53, v55;
	vm1 =	vlt.s32 v56, v57  }
0xf2: {  	v7 =	vsel vm14, v7, v52;
	v58 =	vsel vm15, v53, v55;
	v59 =	vsel vm1, v56, v57  }
0xf3: {  	v10 =	vperm.xlane v6, v2;
	vm0 =	vlt.s32 v7, v58;
	vm1 =	vlt.s32 v59, v31  }
0xf4: {  	v7 =	vsel vm0, v7, v58;
	v60 =	vsel vm1, v59, v31  }
0xf5: {  	v6 =	vadd.f32 v10, v6;
	vm0 =	vlt.s32 v7, v60  }
0xf6: {  	v7 =	vsel vm0, v7, v60  }
0xf7: {  	v61 =	vperm.xlane v6, v3;
	v62 =	vperm.xlane v7, v0  }
0xf8: {  	v5 =	vmul.f32 $1.442695020e+00, v5  }
0xf9: {  	v6 =	vadd.f32 v61, v6;
	vm0 =	vlt.s32 v7, v62  }
0xfa: {  	(erf) = vpow2.f32 v5;
	v5 =	vsel vm0, v7, v62  }
0xfb: {  	(erf) = vrcp.f32 v6;
	v6 =	vperm.xlane v5, v1;
	_ =	sdelay $0x1  }
0xfc: {  	vm0 =	vlt.s32 v5, v6  }
0xfd: {  	v5 =	vsel vm0, v5, v6  }
0xfe: {  	v6 =	vperm.xlane v5, v2;
	_ =	sdelay $0x2  }
0xff: {  	vm0 =	vlt.s32 v5, v6  }
0x100: {  	v5 =	vsel vm0, v5, v6;
	v6 =	vpop (erf)  }
0x101: {  	v7 =	vperm.xlane v5, v3;
	v63 =	vpop (erf)  }
0x102: {  	v6 =	vmul.f32 v63, v6  }
0x103: {  	vm0 =	vlt.s32 v5, v7  }
0x104: {  	v5 =	vsel vm0, v5, v7;
	[tilespmem:$0x18700] =	vst v6  }
0x105: {  	[tilespmem:$0x18780] =	vst v5  }
0x106: {  	[hbm4b:s4+s2] =	stream.linear.scatter [tilespmem:s10], [sflag:$0x1], $0x80, $0x38;
	[tilespmem:$0x18800] =	vst v63  }
0x107: {  	s14 =	sadd.s32 $0x1, s14  }
0x108: {  	[hbm4b:s5+s2] =	stream.linear.scatter [tilespmem:s11], [sflag:$0x2], $0x80, $0x38;
	[tilespmem:$0x18800] =	vst v63  }
0x109: {  	p0 =	sne.s32 s14, s6;
	_ =	swait.ge [sflag:s12], $0x80  }
.Ltmp1:
0x10a: {  	[sflag:s12] =	ssyncset.done $0x0;
	(pc) =	sbr.rel @p0 .LBB2_1-.Ltmp1, $4  }
0x10b: {  	[sflag:s12] =	ssyncadd.s32 $0xFFFFFF80  }
0x10c: {  	_ =	swait.ge [sflag:s13], $0x80  }
0x10d: {  	[sflag:s13] =	ssyncset.done $0x0  }
0x10e: {  	[sflag:s13] =	ssyncadd.s32 $0xFFFFFF80  }
0x10f: {  	_ =	sfence.sel $0x180000  }
0x110: {  	[bflag:$0x0] =	sbarrier.arrive $0xFFFF  }
0x111: {  	p0 =	sne.s32 s1, $0x0;
	_ =	strace $0x90000047  }
0x112: {  	s0 =	sadd.s32 @!p0 $0x100000, s0;
	[bflag:$0x2] =	sbarrier.arrive $0xFFFF  }
0x113: {  	[sflag:s0] =	ssyncadd.tile.s32 @!p0 $0x1;
	_ =	shalt  }
.Lfunc_end2:
_tile_overlayer_lowered:
.L_overlay_start_2:
0x114: {  	(tag) =	ssettag $0x2  }
0x115: {  	s0 =	rddreg [dreg:$0x0];
	s2 =	stileid.u32  }
0x116: {  	s1 =	rddreg [dreg:$0x1];
	p0 =	sne.s32 s2, $0x0  }
0x117: {  	s3 =	rddreg [dreg:$0x2];
	[bflag:$0x3] =	sbarrier.arrive $0xFFFF;
	s2 =	simm.s32 @!p0 $0x1C03  }
0x118: {  	[timem:s3], [sflag:s2] =	dma.local @!p0 [hbm:s0], s1  }
0x119: {  	s0 =	simm.s32 @!p0 $0x3  }
0x11a: {  	_ =	swait.ge @!p0 [sflag:s0], s1  }
0x11b: {  	s1 =	ssub.s32 @!p0 $0x0, s1;
	[sflag:s0] =	ssyncset.done @!p0 $0x0  }
0x11c: {  	[sflag:s0] =	ssyncadd.s32 @!p0 s1  }
0x11d: {  	[bflag:$0x3] =	sbarrier.arrive $0xFFFF  }
0x11e: {  	_ =	shalt  }

</sc_bundles>
